<compile_context>
chip_gen: v7x
topology: tpu7x:2x2x1
jax: 0.10.2.dev20260603
libtpu: 0.0.44.dev20260713+nightly
codegen_flags: <defaults>
</compile_context>

<pallas_src>
import functools

import jax
import jax.numpy as jnp
from jax import lax
from jax.experimental import pallas as pl
from jax.experimental.pallas import tpu as pltpu
from jax.experimental.pallas import tpu_sc as plsc

N = 10000
E = 320000
F_IN = 128
H = 128
C = 64
WA = 144

NB = 10
RB = N // NB

NC = 2
NS = 16
NW = NC * NS
K = 100
NCH = 100
EPW = NCH * K
ND = N
RPT = N // NS


def _ring_pass(table, zeros, out, acc, src_v, dst_v, buf0, buf1, sem0, sem1,
               c, s):
    rz = ND // NS
    pltpu.sync_copy(zeros.at[pl.ds(s * rz, rz)], acc.at[pl.ds(s * rz, rz)])
    plsc.subcore_barrier()

    pltpu.async_copy(table.at[src_v.at[0]], buf0, sem0)
    pltpu.async_copy(table.at[src_v.at[1]], buf1, sem1)

    def body(i, carry):
        g0 = 2 * i
        g1 = 2 * i + 1
        pltpu.make_async_copy(table.at[src_v.at[g0]], buf0, sem0).wait()
        pltpu.sync_copy(buf0, acc.at[dst_v.at[g0]], add=True)

        @pl.when(g0 + 2 < NCH)
        def _():
            pltpu.async_copy(table.at[src_v.at[g0 + 2]], buf0, sem0)

        pltpu.make_async_copy(table.at[src_v.at[g1]], buf1, sem1).wait()
        pltpu.sync_copy(buf1, acc.at[dst_v.at[g1]], add=True)

        @pl.when(g1 + 2 < NCH)
        def _():
            pltpu.async_copy(table.at[src_v.at[g1 + 2]], buf1, sem1)

        return carry

    lax.fori_loop(0, NCH // 2, body, 0)

    plsc.subcore_barrier()
    pltpu.sync_copy(acc.at[pl.ds(s * RPT, RPT)],
                    out.at[c, pl.ds(s * RPT, RPT)])


def _make_seg_sum(width):
    mesh = plsc.VectorSubcoreMesh(core_axis_name="c", subcore_axis_name="s")

    @functools.partial(
        pl.kernel,
        mesh=mesh,
        out_type=jax.ShapeDtypeStruct((NC, N, width), jnp.bfloat16),
        compiler_params=pltpu.CompilerParams(use_tc_tiling_on_sc=False),
        scratch_types=[
            pltpu.VMEM((NCH, K), jnp.int32),
            pltpu.VMEM((NCH, K), jnp.int32),
            pltpu.VMEM((K, width), jnp.bfloat16),
            pltpu.VMEM((K, width), jnp.bfloat16),
            pltpu.VMEM_SHARED((ND, width), jnp.bfloat16),
            pltpu.SemaphoreType.DMA,
            pltpu.SemaphoreType.DMA,
        ],
    )
    def seg(table, src3, dst3, zeros, out, src_v, dst_v, buf0, buf1,
            acc, sem0, sem1):
        c = lax.axis_index("c")
        s = lax.axis_index("s")
        wid = c * NS + s
        pltpu.sync_copy(src3.at[wid], src_v)
        pltpu.sync_copy(dst3.at[wid], dst_v)
        _ring_pass(table, zeros, out, acc, src_v, dst_v, buf0, buf1,
                   sem0, sem1, c, s)

    return seg


_seg_sum_144 = _make_seg_sum(WA)
_seg_sum_64 = _make_seg_sum(C)


def _prep_body(x_ref, wn_ref, ws_ref, b_ref, ta_ref, xs_ref):
    x = x_ref[...]
    y = jnp.dot(x, wn_ref[...], preferred_element_type=jnp.float32)
    ta_ref[:, :H] = y.astype(jnp.bfloat16)
    lane = lax.broadcasted_iota(jnp.int32, (RB, WA - H), 1)
    ta_ref[:, H:] = jnp.where(lane == 0, 1.0, 0.0).astype(jnp.bfloat16)
    xs_ref[...] = (
        jnp.dot(x, ws_ref[...], preferred_element_type=jnp.float32) + b_ref[...]
    )


def _c1_body(xs_ref, acc_ref, h_ref, dinv_ref, sum_ref, ssq_ref):
    i = pl.program_id(0)
    a = (acc_ref[0].astype(jnp.float32) + acc_ref[1].astype(jnp.float32))
    deg = a[:, H:H + 1]
    dinv = 1.0 / jnp.maximum(deg, 1.0)
    h = xs_ref[...] + a[:, :H] * dinv
    h_ref[...] = h
    dinv_ref[...] = jnp.broadcast_to(dinv, (RB, C))

    @pl.when(i == 0)
    def _():
        sum_ref[...] = jnp.zeros_like(sum_ref)
        ssq_ref[...] = jnp.zeros_like(ssq_ref)

    sum_ref[0:1, :] += jnp.sum(h, axis=0, keepdims=True)
    ssq_ref[0:1, :] += jnp.sum(h * h, axis=0, keepdims=True)


def _c2_body(h_ref, sum_ref, ssq_ref, g_ref, be_ref, ws2_ref, wn2_ref, b2_ref,
             y2_ref, s2b_ref):
    mu = sum_ref[0, :] * (1.0 / N)
    var = ssq_ref[0, :] * (1.0 / N) - mu * mu
    scale = g_ref[...] * lax.rsqrt(var + 1e-5)
    hr = jnp.maximum((h_ref[...] - mu) * scale + be_ref[...], 0.0)
    y2 = jnp.dot(hr, wn2_ref[...], preferred_element_type=jnp.float32)
    y2_ref[...] = y2.astype(jnp.bfloat16)
    s2b_ref[...] = (
        jnp.dot(hr, ws2_ref[...], preferred_element_type=jnp.float32)
        + b2_ref[...]
    )


def _e_body(s2b_ref, acc_ref, dinv_ref, out_ref):
    a = acc_ref[0].astype(jnp.float32) + acc_ref[1].astype(jnp.float32)
    out_ref[...] = s2b_ref[...] + a * dinv_ref[...]


def _row_spec(w):
    return pl.BlockSpec((RB, w), lambda i: (i, 0))


def _acc_spec(w):
    return pl.BlockSpec((NC, RB, w), lambda i: (0, i, 0))


def _full_spec(shape):
    nd = len(shape)
    return pl.BlockSpec(shape, lambda i: (0,) * nd)


def kernel(x, edge_index, W_self1, W_neigh1, b1, gamma1, beta1,
           W_self2, W_neigh2, b2):
    src3 = edge_index[0].reshape(NW, NCH, K)
    dst3 = edge_index[1].reshape(NW, NCH, K)
    z144 = jnp.zeros((ND, WA), jnp.bfloat16)
    z64 = jnp.zeros((ND, C), jnp.bfloat16)

    ta, xs = pl.pallas_call(
        _prep_body,
        grid=(NB,),
        in_specs=[_row_spec(F_IN), _full_spec((F_IN, H)),
                  _full_spec((F_IN, H)), _full_spec((H,))],
        out_specs=[_row_spec(WA), _row_spec(H)],
        out_shape=[jax.ShapeDtypeStruct((N, WA), jnp.bfloat16),
                   jax.ShapeDtypeStruct((N, H), jnp.float32)],
    )(x, W_neigh1, W_self1, b1)

    acc1 = _seg_sum_144(ta, src3, dst3, z144)

    h, dinv, sums, ssq = pl.pallas_call(
        _c1_body,
        grid=(NB,),
        in_specs=[_row_spec(H), _acc_spec(WA)],
        out_specs=[_row_spec(H), _row_spec(C),
                   _full_spec((8, H)), _full_spec((8, H))],
        out_shape=[jax.ShapeDtypeStruct((N, H), jnp.float32),
                   jax.ShapeDtypeStruct((N, C), jnp.float32),
                   jax.ShapeDtypeStruct((8, H), jnp.float32),
                   jax.ShapeDtypeStruct((8, H), jnp.float32)],
    )(xs, acc1)

    y2, s2b = pl.pallas_call(
        _c2_body,
        grid=(NB,),
        in_specs=[_row_spec(H), _full_spec((8, H)), _full_spec((8, H)),
                  _full_spec((H,)), _full_spec((H,)),
                  _full_spec((H, C)), _full_spec((H, C)), _full_spec((C,))],
        out_specs=[_row_spec(C), _row_spec(C)],
        out_shape=[jax.ShapeDtypeStruct((N, C), jnp.bfloat16),
                   jax.ShapeDtypeStruct((N, C), jnp.float32)],
    )(h, sums, ssq, gamma1, beta1, W_self2, W_neigh2, b2)

    acc2 = _seg_sum_64(y2, src3, dst3, z64)

    out = pl.pallas_call(
        _e_body,
        grid=(NB,),
        in_specs=[_row_spec(C), _acc_spec(C), _row_spec(C)],
        out_specs=_row_spec(C),
        out_shape=jax.ShapeDtypeStruct((N, C), jnp.float32),
    )(s2b, acc2, dinv)

    return out

# --- scband reference (transcript-rebuilt; emitter-appended) ---
"""Pipeline reference for scband-graph-sage-29180007809643 (READ-ONLY COPY).

The authoritative reference and input builder live on the scoring server;
editing this copy changes nothing except your own understanding.
"""

import jax, jax.numpy as jnp
import numpy as np

N = 10000
E = 320000
F_IN = 128
H = 128
C = 64


def setup_inputs(seed: int = 0) -> dict:
    key = jax.random.key(seed)
    ks = jax.random.split(key, 12)
    x = jax.random.normal(ks[0], (N, F_IN), dtype=jnp.float32)
    edge_index = jax.random.randint(ks[1], (2, E), 0, N).astype(jnp.int32)
    # Layer 1: SAGEConv(in=128, out=128, 'mean')
    W_self1 = jax.random.normal(ks[2], (F_IN, H), dtype=jnp.float32) * 0.05
    W_neigh1 = jax.random.normal(ks[3], (F_IN, H), dtype=jnp.float32) * 0.05
    b1 = jnp.zeros((H,), dtype=jnp.float32)
    # BatchNorm1d(hidden)
    gamma1 = jnp.ones((H,), dtype=jnp.float32)
    beta1 = jnp.zeros((H,), dtype=jnp.float32)
    # Layer 2: SAGEConv(in=128, out=64, 'mean')
    W_self2 = jax.random.normal(ks[4], (H, C), dtype=jnp.float32) * 0.05
    W_neigh2 = jax.random.normal(ks[5], (H, C), dtype=jnp.float32) * 0.05
    b2 = jnp.zeros((C,), dtype=jnp.float32)
    return {"x": x, "edge_index": edge_index, "W_self1": W_self1, "W_neigh1": W_neigh1, "b1": b1, "gamma1": gamma1, "beta1": beta1, "W_self2": W_self2, "W_neigh2": W_neigh2, "b2": b2}


def _sage_mean_layer(h, src, dst, W_self, W_neigh, b):
    # message = h[src]; mean-aggregate onto dst nodes (DGL SAGEConv 'mean')
    msg = jnp.take(h, src, axis=0)
    agg = jax.ops.segment_sum(msg, dst, num_segments=N)
    deg = jax.ops.segment_sum(jnp.ones((src.shape[0],), dtype=h.dtype), dst, num_segments=N)
    h_neigh = agg / jnp.clip(deg, 1.0)[:, None]
    return h @ W_self + h_neigh @ W_neigh + b


def _batch_norm(h, gamma, beta, eps=1e-5):
    mu = jnp.mean(h, axis=0)
    var = jnp.var(h, axis=0)
    return (h - mu) / jnp.sqrt(var + eps) * gamma + beta


def reference(x, edge_index, W_self1, W_neigh1, b1, gamma1, beta1, W_self2, W_neigh2, b2):
    src = edge_index[0]
    dst = edge_index[1]
    h = _sage_mean_layer(x, src, dst, W_self1, W_neigh1, b1)
    h = _batch_norm(h, gamma1, beta1)
    h = jax.nn.relu(h)
    # dropout is identity in eval / deterministic reference
    h = _sage_mean_layer(h, src, dst, W_self2, W_neigh2, b2)
    return h

if __name__ == "__main__":
    import jax
    _d = setup_inputs()
    print(jax.jit(kernel)(*tuple(_d.values())))

</pallas_src>

<mosaic_0001>
#map = affine_map<(d0, d1) -> (0, 0)>
#map1 = affine_map<(d0, d1) -> (0, 0, 0)>
module attributes {stable_mosaic.version = 14 : i64} {
  func.func @seg(%arg0: i32, %arg1: i32, %arg2: memref<10000x64xbf16, #tpu.memory_space<hbm>>, %arg3: memref<32x100x100xi32, #tpu.memory_space<hbm>>, %arg4: memref<32x100x100xi32, #tpu.memory_space<hbm>>, %arg5: memref<10000x64xbf16, #tpu.memory_space<hbm>>, %arg6: memref<2x10000x64xbf16, #tpu.memory_space<hbm>>, %arg7: memref<100x100xi32, #tpu.memory_space<vmem>>, %arg8: memref<100x100xi32, #tpu.memory_space<vmem>>, %arg9: memref<100x64xbf16, #tpu.memory_space<vmem>>, %arg10: memref<100x64xbf16, #tpu.memory_space<vmem>>, %arg11: memref<10000x64xbf16, #tpu.memory_space<vmem_shared>>, %arg12: memref<!tpu.dma_semaphore, #tpu.memory_space<semaphore_mem>>, %arg13: memref<!tpu.dma_semaphore, #tpu.memory_space<semaphore_mem>>) attributes {dimension_semantics = [#tpu.dimension_semantics<core_parallel>, #tpu.dimension_semantics<subcore_parallel>], iteration_bounds = array<i64: 2, 16>, scalar_prefetch = 0 : i64, scratch_operands = 7 : i64, tpu.core_type = #tpu.core_type<sc_vector_subcore>, window_params = [{transform_indices = #map}, {transform_indices = #map1}, {transform_indices = #map1}, {transform_indices = #map}, {transform_indices = #map1}]} {
    %mul3A = arith.constant 16 : i32
    %mul3A_0 = arith.muli %arg0, %mul3A : i32
    %add3A = arith.addi %mul3A_0, %arg1 : i32
    "tpu.region"() ({
      %run_scoped3A = tpu.sem_alloc : memref<!tpu.dma_semaphore, #tpu.memory_space<semaphore_mem>>
      %dma_start3A_28 = arith.constant 0 : i32
      %dma_start3A_29 = arith.constant 0 : i32
      %dma_start3A_30 = tpu.memref_slice %arg3[%add3A, %dma_start3A_28, %dma_start3A_29] : memref<32x100x100xi32, #tpu.memory_space<hbm>> -> memref<1x100x100xi32, #tpu.memory_space<hbm>>
      %dma_start3A_31 = tpu.memref_squeeze %dma_start3A_30 : memref<1x100x100xi32, #tpu.memory_space<hbm>> -> memref<100x100xi32, #tpu.memory_space<hbm>>
      %dma_start3A_32 = arith.constant 0 : i32
      %dma_start3A_33 = arith.constant 0 : i32
      %dma_start3A_34 = tpu.memref_slice %arg3[%add3A, %dma_start3A_32, %dma_start3A_33] : memref<32x100x100xi32, #tpu.memory_space<hbm>> -> memref<1x100x100xi32, #tpu.memory_space<hbm>>
      %dma_start3A_35 = tpu.memref_squeeze %dma_start3A_34 : memref<1x100x100xi32, #tpu.memory_space<hbm>> -> memref<100x100xi32, #tpu.memory_space<hbm>>
      tpu.enqueue_dma source(%dma_start3A_35 : memref<100x100xi32, #tpu.memory_space<hbm>>) target(%arg7 : memref<100x100xi32, #tpu.memory_space<vmem>>) target_semaphore(%run_scoped3A : memref<!tpu.dma_semaphore, #tpu.memory_space<semaphore_mem>>)
      %dma_wait3A = arith.constant 0 : i32
      %dma_wait3A_36 = arith.constant 0 : i32
      %dma_wait3A_37 = tpu.memref_slice %arg3[%add3A, %dma_wait3A, %dma_wait3A_36] : memref<32x100x100xi32, #tpu.memory_space<hbm>> -> memref<1x100x100xi32, #tpu.memory_space<hbm>>
      %dma_wait3A_38 = tpu.memref_squeeze %dma_wait3A_37 : memref<1x100x100xi32, #tpu.memory_space<hbm>> -> memref<100x100xi32, #tpu.memory_space<hbm>>
      %dma_wait3A_39 = arith.constant 0 : i32
      %dma_wait3A_40 = arith.constant 0 : i32
      %dma_wait3A_41 = tpu.memref_slice %arg3[%add3A, %dma_wait3A_39, %dma_wait3A_40] : memref<32x100x100xi32, #tpu.memory_space<hbm>> -> memref<1x100x100xi32, #tpu.memory_space<hbm>>
      %dma_wait3A_42 = tpu.memref_squeeze %dma_wait3A_41 : memref<1x100x100xi32, #tpu.memory_space<hbm>> -> memref<100x100xi32, #tpu.memory_space<hbm>>
      tpu.wait_dma2 semaphore(%run_scoped3A : memref<!tpu.dma_semaphore, #tpu.memory_space<semaphore_mem>>) src(%dma_wait3A_42 : memref<100x100xi32, #tpu.memory_space<hbm>>) dst(%arg7 : memref<100x100xi32, #tpu.memory_space<vmem>>)
      tpu.yield
    }) : () -> ()
    "tpu.region"() ({
      %run_scoped3A = tpu.sem_alloc : memref<!tpu.dma_semaphore, #tpu.memory_space<semaphore_mem>>
      %dma_start3A_28 = arith.constant 0 : i32
      %dma_start3A_29 = arith.constant 0 : i32
      %dma_start3A_30 = tpu.memref_slice %arg4[%add3A, %dma_start3A_28, %dma_start3A_29] : memref<32x100x100xi32, #tpu.memory_space<hbm>> -> memref<1x100x100xi32, #tpu.memory_space<hbm>>
      %dma_start3A_31 = tpu.memref_squeeze %dma_start3A_30 : memref<1x100x100xi32, #tpu.memory_space<hbm>> -> memref<100x100xi32, #tpu.memory_space<hbm>>
      %dma_start3A_32 = arith.constant 0 : i32
      %dma_start3A_33 = arith.constant 0 : i32
      %dma_start3A_34 = tpu.memref_slice %arg4[%add3A, %dma_start3A_32, %dma_start3A_33] : memref<32x100x100xi32, #tpu.memory_space<hbm>> -> memref<1x100x100xi32, #tpu.memory_space<hbm>>
      %dma_start3A_35 = tpu.memref_squeeze %dma_start3A_34 : memref<1x100x100xi32, #tpu.memory_space<hbm>> -> memref<100x100xi32, #tpu.memory_space<hbm>>
      tpu.enqueue_dma source(%dma_start3A_35 : memref<100x100xi32, #tpu.memory_space<hbm>>) target(%arg8 : memref<100x100xi32, #tpu.memory_space<vmem>>) target_semaphore(%run_scoped3A : memref<!tpu.dma_semaphore, #tpu.memory_space<semaphore_mem>>)
      %dma_wait3A = arith.constant 0 : i32
      %dma_wait3A_36 = arith.constant 0 : i32
      %dma_wait3A_37 = tpu.memref_slice %arg4[%add3A, %dma_wait3A, %dma_wait3A_36] : memref<32x100x100xi32, #tpu.memory_space<hbm>> -> memref<1x100x100xi32, #tpu.memory_space<hbm>>
      %dma_wait3A_38 = tpu.memref_squeeze %dma_wait3A_37 : memref<1x100x100xi32, #tpu.memory_space<hbm>> -> memref<100x100xi32, #tpu.memory_space<hbm>>
      %dma_wait3A_39 = arith.constant 0 : i32
      %dma_wait3A_40 = arith.constant 0 : i32
      %dma_wait3A_41 = tpu.memref_slice %arg4[%add3A, %dma_wait3A_39, %dma_wait3A_40] : memref<32x100x100xi32, #tpu.memory_space<hbm>> -> memref<1x100x100xi32, #tpu.memory_space<hbm>>
      %dma_wait3A_42 = tpu.memref_squeeze %dma_wait3A_41 : memref<1x100x100xi32, #tpu.memory_space<hbm>> -> memref<100x100xi32, #tpu.memory_space<hbm>>
      tpu.wait_dma2 semaphore(%run_scoped3A : memref<!tpu.dma_semaphore, #tpu.memory_space<semaphore_mem>>) src(%dma_wait3A_42 : memref<100x100xi32, #tpu.memory_space<hbm>>) dst(%arg8 : memref<100x100xi32, #tpu.memory_space<vmem>>)
      tpu.yield
    }) : () -> ()
    %mul3A_1 = arith.constant 625 : i32
    %mul3A_2 = arith.muli %arg1, %mul3A_1 : i32
    %mul3A_3 = arith.constant 625 : i32
    %mul3A_4 = arith.muli %arg1, %mul3A_3 : i32
    "tpu.region"() ({
      %run_scoped3A = tpu.sem_alloc : memref<!tpu.dma_semaphore, #tpu.memory_space<semaphore_mem>>
      %dma_start3A_28 = arith.constant 0 : i32
      %dma_start3A_29 = tpu.memref_slice %arg11[%mul3A_4, %dma_start3A_28] : memref<10000x64xbf16, #tpu.memory_space<vmem_shared>> -> memref<625x64xbf16, #tpu.memory_space<vmem_shared>>
      %dma_start3A_30 = arith.constant 0 : i32
      %dma_start3A_31 = tpu.memref_slice %arg5[%mul3A_2, %dma_start3A_30] : memref<10000x64xbf16, #tpu.memory_space<hbm>> -> memref<625x64xbf16, #tpu.memory_space<hbm>>
      tpu.enqueue_dma source(%dma_start3A_31 : memref<625x64xbf16, #tpu.memory_space<hbm>>) target(%dma_start3A_29 : memref<625x64xbf16, #tpu.memory_space<vmem_shared>>) target_semaphore(%run_scoped3A : memref<!tpu.dma_semaphore, #tpu.memory_space<semaphore_mem>>)
      %dma_wait3A = arith.constant 0 : i32
      %dma_wait3A_32 = tpu.memref_slice %arg11[%mul3A_4, %dma_wait3A] : memref<10000x64xbf16, #tpu.memory_space<vmem_shared>> -> memref<625x64xbf16, #tpu.memory_space<vmem_shared>>
      %dma_wait3A_33 = arith.constant 0 : i32
      %dma_wait3A_34 = tpu.memref_slice %arg5[%mul3A_2, %dma_wait3A_33] : memref<10000x64xbf16, #tpu.memory_space<hbm>> -> memref<625x64xbf16, #tpu.memory_space<hbm>>
      tpu.wait_dma2 semaphore(%run_scoped3A : memref<!tpu.dma_semaphore, #tpu.memory_space<semaphore_mem>>) src(%dma_wait3A_34 : memref<625x64xbf16, #tpu.memory_space<hbm>>) dst(%dma_wait3A_32 : memref<625x64xbf16, #tpu.memory_space<vmem_shared>>)
      tpu.yield
    }) : () -> ()
    %barrier3A = arith.constant 0 : index
    tpu.barrier barrier_id(%barrier3A)
    %dma_start3A = arith.constant 0 : i32
    %dma_start3A_5 = arith.constant 0 : i32
    %dma_start3A_6 = tpu.memref_slice %arg7[%dma_start3A, %dma_start3A_5] : memref<100x100xi32, #tpu.memory_space<vmem>> -> memref<1x100xi32, #tpu.memory_space<vmem>>
    %dma_start3A_7 = tpu.memref_squeeze %dma_start3A_6 : memref<1x100xi32, #tpu.memory_space<vmem>> -> memref<100xi32, #tpu.memory_space<vmem>>
    %dma_start3A_8 = arith.constant 0 : i32
    %dma_start3A_9 = arith.constant 0 : i32
    %dma_start3A_10 = tpu.memref_slice %arg2[%dma_start3A_8, %dma_start3A_9] : memref<10000x64xbf16, #tpu.memory_space<hbm>> -> memref<10000x64xbf16, #tpu.memory_space<hbm>>
    tpu.enqueue_indirect_dma source(%dma_start3A_10 : memref<10000x64xbf16, #tpu.memory_space<hbm>>) target(%arg9 : memref<100x64xbf16, #tpu.memory_space<vmem>>) offsets(%dma_start3A_7 : memref<100xi32, #tpu.memory_space<vmem>>) semaphore(%arg12 : memref<!tpu.dma_semaphore, #tpu.memory_space<semaphore_mem>>)
    %dma_start3A_11 = arith.constant 1 : i32
    %dma_start3A_12 = arith.constant 0 : i32
    %dma_start3A_13 = tpu.memref_slice %arg7[%dma_start3A_11, %dma_start3A_12] : memref<100x100xi32, #tpu.memory_space<vmem>> -> memref<1x100xi32, #tpu.memory_space<vmem>>
    %dma_start3A_14 = tpu.memref_squeeze %dma_start3A_13 : memref<1x100xi32, #tpu.memory_space<vmem>> -> memref<100xi32, #tpu.memory_space<vmem>>
    %dma_start3A_15 = arith.constant 0 : i32
    %dma_start3A_16 = arith.constant 0 : i32
    %dma_start3A_17 = tpu.memref_slice %arg2[%dma_start3A_15, %dma_start3A_16] : memref<10000x64xbf16, #tpu.memory_space<hbm>> -> memref<10000x64xbf16, #tpu.memory_space<hbm>>
    tpu.enqueue_indirect_dma source(%dma_start3A_17 : memref<10000x64xbf16, #tpu.memory_space<hbm>>) target(%arg10 : memref<100x64xbf16, #tpu.memory_space<vmem>>) offsets(%dma_start3A_14 : memref<100xi32, #tpu.memory_space<vmem>>) semaphore(%arg13 : memref<!tpu.dma_semaphore, #tpu.memory_space<semaphore_mem>>)
    %scan3A = arith.constant 0 : i32
    %scan3A_18 = arith.constant 0 : i32
    %scan3A_19 = arith.constant 50 : i32
    %scan3A_20 = arith.addi %scan3A_18, %scan3A_19 : i32
    %scan3A_21 = arith.constant 1 : i32
    scf.for %scan3A_28 = %scan3A_18 to %scan3A_20 step %scan3A_21  : i32 {
      %mul3A_29 = arith.constant 2 : i32
      %mul3A_30 = arith.muli %mul3A_29, %scan3A_28 : i32
      %mul3A_31 = arith.constant 2 : i32
      %mul3A_32 = arith.muli %mul3A_31, %scan3A_28 : i32
      %add3A_33 = arith.constant 1 : i32
      %add3A_34 = arith.addi %mul3A_32, %add3A_33 : i32
      %dma_wait3A = arith.constant 0 : i32
      %dma_wait3A_35 = tpu.memref_slice %arg7[%mul3A_30, %dma_wait3A] : memref<100x100xi32, #tpu.memory_space<vmem>> -> memref<1x100xi32, #tpu.memory_space<vmem>>
      %dma_wait3A_36 = tpu.memref_squeeze %dma_wait3A_35 : memref<1x100xi32, #tpu.memory_space<vmem>> -> memref<100xi32, #tpu.memory_space<vmem>>
      %dma_wait3A_37 = arith.constant 0 : i32
      %dma_wait3A_38 = arith.constant 0 : i32
      %dma_wait3A_39 = tpu.memref_slice %arg2[%dma_wait3A_37, %dma_wait3A_38] : memref<10000x64xbf16, #tpu.memory_space<hbm>> -> memref<10000x64xbf16, #tpu.memory_space<hbm>>
      tpu.wait_indirect_dma semaphore(%arg12 : memref<!tpu.dma_semaphore, #tpu.memory_space<semaphore_mem>>) src(%dma_wait3A_39 : memref<10000x64xbf16, #tpu.memory_space<hbm>>) dst(%arg9 : memref<100x64xbf16, #tpu.memory_space<vmem>>)
      "tpu.region"() ({
        %run_scoped3A = tpu.sem_alloc : memref<!tpu.dma_semaphore, #tpu.memory_space<semaphore_mem>>
        %dma_start3A_57 = arith.constant 0 : i32
        %dma_start3A_58 = tpu.memref_slice %arg8[%mul3A_30, %dma_start3A_57] : memref<100x100xi32, #tpu.memory_space<vmem>> -> memref<1x100xi32, #tpu.memory_space<vmem>>
        %dma_start3A_59 = tpu.memref_squeeze %dma_start3A_58 : memref<1x100xi32, #tpu.memory_space<vmem>> -> memref<100xi32, #tpu.memory_space<vmem>>
        %dma_start3A_60 = arith.constant 0 : i32
        %dma_start3A_61 = arith.constant 0 : i32
        %dma_start3A_62 = tpu.memref_slice %arg11[%dma_start3A_60, %dma_start3A_61] : memref<10000x64xbf16, #tpu.memory_space<vmem_shared>> -> memref<10000x64xbf16, #tpu.memory_space<vmem_shared>>
        tpu.enqueue_indirect_dma source(%arg9 : memref<100x64xbf16, #tpu.memory_space<vmem>>) target(%dma_start3A_62 : memref<10000x64xbf16, #tpu.memory_space<vmem_shared>>) offsets(%dma_start3A_59 : memref<100xi32, #tpu.memory_space<vmem>>) semaphore(%run_scoped3A : memref<!tpu.dma_semaphore, #tpu.memory_space<semaphore_mem>>) {add = true}
        %dma_wait3A_63 = arith.constant 0 : i32
        %dma_wait3A_64 = tpu.memref_slice %arg8[%mul3A_30, %dma_wait3A_63] : memref<100x100xi32, #tpu.memory_space<vmem>> -> memref<1x100xi32, #tpu.memory_space<vmem>>
        %dma_wait3A_65 = tpu.memref_squeeze %dma_wait3A_64 : memref<1x100xi32, #tpu.memory_space<vmem>> -> memref<100xi32, #tpu.memory_space<vmem>>
        %dma_wait3A_66 = arith.constant 0 : i32
        %dma_wait3A_67 = arith.constant 0 : i32
        %dma_wait3A_68 = tpu.memref_slice %arg11[%dma_wait3A_66, %dma_wait3A_67] : memref<10000x64xbf16, #tpu.memory_space<vmem_shared>> -> memref<10000x64xbf16, #tpu.memory_space<vmem_shared>>
        tpu.wait_indirect_dma semaphore(%run_scoped3A : memref<!tpu.dma_semaphore, #tpu.memory_space<semaphore_mem>>) src(%arg9 : memref<100x64xbf16, #tpu.memory_space<vmem>>) dst(%dma_wait3A_68 : memref<10000x64xbf16, #tpu.memory_space<vmem_shared>>)
        tpu.yield
      }) : () -> ()
      %add3A_40 = arith.constant 2 : i32
      %add3A_41 = arith.addi %mul3A_30, %add3A_40 : i32
      %lt3A = arith.constant 100 : i32
      %lt3A_42 = arith.cmpi slt, %add3A_41, %lt3A : i32
      %convert_element_type3A = arith.extui %lt3A_42 : i1 to i32
      %cond3A = arith.constant 0 : i32
      %cond3A_43 = arith.cmpi ne, %convert_element_type3A, %cond3A : i32
      scf.if %cond3A_43 {
        %add3A_57 = arith.constant 2 : i32
        %add3A_58 = arith.addi %mul3A_30, %add3A_57 : i32
        %dma_start3A_59 = arith.constant 0 : i32
        %dma_start3A_60 = tpu.memref_slice %arg7[%add3A_58, %dma_start3A_59] : memref<100x100xi32, #tpu.memory_space<vmem>> -> memref<1x100xi32, #tpu.memory_space<vmem>>
        %dma_start3A_61 = tpu.memref_squeeze %dma_start3A_60 : memref<1x100xi32, #tpu.memory_space<vmem>> -> memref<100xi32, #tpu.memory_space<vmem>>
        %dma_start3A_62 = arith.constant 0 : i32
        %dma_start3A_63 = arith.constant 0 : i32
        %dma_start3A_64 = tpu.memref_slice %arg2[%dma_start3A_62, %dma_start3A_63] : memref<10000x64xbf16, #tpu.memory_space<hbm>> -> memref<10000x64xbf16, #tpu.memory_space<hbm>>
        tpu.enqueue_indirect_dma source(%dma_start3A_64 : memref<10000x64xbf16, #tpu.memory_space<hbm>>) target(%arg9 : memref<100x64xbf16, #tpu.memory_space<vmem>>) offsets(%dma_start3A_61 : memref<100xi32, #tpu.memory_space<vmem>>) semaphore(%arg12 : memref<!tpu.dma_semaphore, #tpu.memory_space<semaphore_mem>>)
      } else {
      }
      %dma_wait3A_44 = arith.constant 0 : i32
      %dma_wait3A_45 = tpu.memref_slice %arg7[%add3A_34, %dma_wait3A_44] : memref<100x100xi32, #tpu.memory_space<vmem>> -> memref<1x100xi32, #tpu.memory_space<vmem>>
      %dma_wait3A_46 = tpu.memref_squeeze %dma_wait3A_45 : memref<1x100xi32, #tpu.memory_space<vmem>> -> memref<100xi32, #tpu.memory_space<vmem>>
      %dma_wait3A_47 = arith.constant 0 : i32
      %dma_wait3A_48 = arith.constant 0 : i32
      %dma_wait3A_49 = tpu.memref_slice %arg2[%dma_wait3A_47, %dma_wait3A_48] : memref<10000x64xbf16, #tpu.memory_space<hbm>> -> memref<10000x64xbf16, #tpu.memory_space<hbm>>
      tpu.wait_indirect_dma semaphore(%arg13 : memref<!tpu.dma_semaphore, #tpu.memory_space<semaphore_mem>>) src(%dma_wait3A_49 : memref<10000x64xbf16, #tpu.memory_space<hbm>>) dst(%arg10 : memref<100x64xbf16, #tpu.memory_space<vmem>>)
      "tpu.region"() ({
        %run_scoped3A = tpu.sem_alloc : memref<!tpu.dma_semaphore, #tpu.memory_space<semaphore_mem>>
        %dma_start3A_57 = arith.constant 0 : i32
        %dma_start3A_58 = tpu.memref_slice %arg8[%add3A_34, %dma_start3A_57] : memref<100x100xi32, #tpu.memory_space<vmem>> -> memref<1x100xi32, #tpu.memory_space<vmem>>
        %dma_start3A_59 = tpu.memref_squeeze %dma_start3A_58 : memref<1x100xi32, #tpu.memory_space<vmem>> -> memref<100xi32, #tpu.memory_space<vmem>>
        %dma_start3A_60 = arith.constant 0 : i32
        %dma_start3A_61 = arith.constant 0 : i32
        %dma_start3A_62 = tpu.memref_slice %arg11[%dma_start3A_60, %dma_start3A_61] : memref<10000x64xbf16, #tpu.memory_space<vmem_shared>> -> memref<10000x64xbf16, #tpu.memory_space<vmem_shared>>
        tpu.enqueue_indirect_dma source(%arg10 : memref<100x64xbf16, #tpu.memory_space<vmem>>) target(%dma_start3A_62 : memref<10000x64xbf16, #tpu.memory_space<vmem_shared>>) offsets(%dma_start3A_59 : memref<100xi32, #tpu.memory_space<vmem>>) semaphore(%run_scoped3A : memref<!tpu.dma_semaphore, #tpu.memory_space<semaphore_mem>>) {add = true}
        %dma_wait3A_63 = arith.constant 0 : i32
        %dma_wait3A_64 = tpu.memref_slice %arg8[%add3A_34, %dma_wait3A_63] : memref<100x100xi32, #tpu.memory_space<vmem>> -> memref<1x100xi32, #tpu.memory_space<vmem>>
        %dma_wait3A_65 = tpu.memref_squeeze %dma_wait3A_64 : memref<1x100xi32, #tpu.memory_space<vmem>> -> memref<100xi32, #tpu.memory_space<vmem>>
        %dma_wait3A_66 = arith.constant 0 : i32
        %dma_wait3A_67 = arith.constant 0 : i32
        %dma_wait3A_68 = tpu.memref_slice %arg11[%dma_wait3A_66, %dma_wait3A_67] : memref<10000x64xbf16, #tpu.memory_space<vmem_shared>> -> memref<10000x64xbf16, #tpu.memory_space<vmem_shared>>
        tpu.wait_indirect_dma semaphore(%run_scoped3A : memref<!tpu.dma_semaphore, #tpu.memory_space<semaphore_mem>>) src(%arg10 : memref<100x64xbf16, #tpu.memory_space<vmem>>) dst(%dma_wait3A_68 : memref<10000x64xbf16, #tpu.memory_space<vmem_shared>>)
        tpu.yield
      }) : () -> ()
      %add3A_50 = arith.constant 2 : i32
      %add3A_51 = arith.addi %add3A_34, %add3A_50 : i32
      %lt3A_52 = arith.constant 100 : i32
      %lt3A_53 = arith.cmpi slt, %add3A_51, %lt3A_52 : i32
      %convert_element_type3A_54 = arith.extui %lt3A_53 : i1 to i32
      %cond3A_55 = arith.constant 0 : i32
      %cond3A_56 = arith.cmpi ne, %convert_element_type3A_54, %cond3A_55 : i32
      scf.if %cond3A_56 {
        %add3A_57 = arith.constant 2 : i32
        %add3A_58 = arith.addi %add3A_34, %add3A_57 : i32
        %dma_start3A_59 = arith.constant 0 : i32
        %dma_start3A_60 = tpu.memref_slice %arg7[%add3A_58, %dma_start3A_59] : memref<100x100xi32, #tpu.memory_space<vmem>> -> memref<1x100xi32, #tpu.memory_space<vmem>>
        %dma_start3A_61 = tpu.memref_squeeze %dma_start3A_60 : memref<1x100xi32, #tpu.memory_space<vmem>> -> memref<100xi32, #tpu.memory_space<vmem>>
        %dma_start3A_62 = arith.constant 0 : i32
        %dma_start3A_63 = arith.constant 0 : i32
        %dma_start3A_64 = tpu.memref_slice %arg2[%dma_start3A_62, %dma_start3A_63] : memref<10000x64xbf16, #tpu.memory_space<hbm>> -> memref<10000x64xbf16, #tpu.memory_space<hbm>>
        tpu.enqueue_indirect_dma source(%dma_start3A_64 : memref<10000x64xbf16, #tpu.memory_space<hbm>>) target(%arg10 : memref<100x64xbf16, #tpu.memory_space<vmem>>) offsets(%dma_start3A_61 : memref<100xi32, #tpu.memory_space<vmem>>) semaphore(%arg13 : memref<!tpu.dma_semaphore, #tpu.memory_space<semaphore_mem>>)
      } else {
      }
    }
    %scan3A_22 = arith.constant 50 : i32
    %barrier3A_23 = arith.constant 0 : index
    tpu.barrier barrier_id(%barrier3A_23)
    %mul3A_24 = arith.constant 625 : i32
    %mul3A_25 = arith.muli %arg1, %mul3A_24 : i32
    %mul3A_26 = arith.constant 625 : i32
    %mul3A_27 = arith.muli %arg1, %mul3A_26 : i32
    "tpu.region"() ({
      %run_scoped3A = tpu.sem_alloc : memref<!tpu.dma_semaphore, #tpu.memory_space<semaphore_mem>>
      %dma_start3A_28 = arith.constant 0 : i32
      %dma_start3A_29 = tpu.memref_slice %arg6[%arg0, %mul3A_27, %dma_start3A_28] : memref<2x10000x64xbf16, #tpu.memory_space<hbm>> -> memref<1x625x64xbf16, #tpu.memory_space<hbm>>
      %dma_start3A_30 = tpu.memref_squeeze %dma_start3A_29 : memref<1x625x64xbf16, #tpu.memory_space<hbm>> -> memref<625x64xbf16, #tpu.memory_space<hbm>>
      %dma_start3A_31 = arith.constant 0 : i32
      %dma_start3A_32 = tpu.memref_slice %arg11[%mul3A_25, %dma_start3A_31] : memref<10000x64xbf16, #tpu.memory_space<vmem_shared>> -> memref<625x64xbf16, #tpu.memory_space<vmem_shared>>
      tpu.enqueue_dma source(%dma_start3A_32 : memref<625x64xbf16, #tpu.memory_space<vmem_shared>>) target(%dma_start3A_30 : memref<625x64xbf16, #tpu.memory_space<hbm>>) target_semaphore(%run_scoped3A : memref<!tpu.dma_semaphore, #tpu.memory_space<semaphore_mem>>)
      %dma_wait3A = arith.constant 0 : i32
      %dma_wait3A_33 = tpu.memref_slice %arg6[%arg0, %mul3A_27, %dma_wait3A] : memref<2x10000x64xbf16, #tpu.memory_space<hbm>> -> memref<1x625x64xbf16, #tpu.memory_space<hbm>>
      %dma_wait3A_34 = tpu.memref_squeeze %dma_wait3A_33 : memref<1x625x64xbf16, #tpu.memory_space<hbm>> -> memref<625x64xbf16, #tpu.memory_space<hbm>>
      %dma_wait3A_35 = arith.constant 0 : i32
      %dma_wait3A_36 = tpu.memref_slice %arg11[%mul3A_25, %dma_wait3A_35] : memref<10000x64xbf16, #tpu.memory_space<vmem_shared>> -> memref<625x64xbf16, #tpu.memory_space<vmem_shared>>
      tpu.wait_dma2 semaphore(%run_scoped3A : memref<!tpu.dma_semaphore, #tpu.memory_space<semaphore_mem>>) src(%dma_wait3A_36 : memref<625x64xbf16, #tpu.memory_space<vmem_shared>>) dst(%dma_wait3A_34 : memref<625x64xbf16, #tpu.memory_space<hbm>>)
      tpu.yield
    }) : () -> ()
    return
  }
}

#map = affine_map<(d0, d1) -> (0, 0)>
#map1 = affine_map<(d0, d1) -> (0, 0, 0)>
module attributes {stable_mosaic.version = 14 : i64} {
  func.func @seg(%arg0: i32, %arg1: i32, %arg2: memref<10000x144xbf16, #tpu.memory_space<hbm>>, %arg3: memref<32x100x100xi32, #tpu.memory_space<hbm>>, %arg4: memref<32x100x100xi32, #tpu.memory_space<hbm>>, %arg5: memref<10000x144xbf16, #tpu.memory_space<hbm>>, %arg6: memref<2x10000x144xbf16, #tpu.memory_space<hbm>>, %arg7: memref<100x100xi32, #tpu.memory_space<vmem>>, %arg8: memref<100x100xi32, #tpu.memory_space<vmem>>, %arg9: memref<100x144xbf16, #tpu.memory_space<vmem>>, %arg10: memref<100x144xbf16, #tpu.memory_space<vmem>>, %arg11: memref<10000x144xbf16, #tpu.memory_space<vmem_shared>>, %arg12: memref<!tpu.dma_semaphore, #tpu.memory_space<semaphore_mem>>, %arg13: memref<!tpu.dma_semaphore, #tpu.memory_space<semaphore_mem>>) attributes {dimension_semantics = [#tpu.dimension_semantics<core_parallel>, #tpu.dimension_semantics<subcore_parallel>], iteration_bounds = array<i64: 2, 16>, scalar_prefetch = 0 : i64, scratch_operands = 7 : i64, tpu.core_type = #tpu.core_type<sc_vector_subcore>, window_params = [{transform_indices = #map}, {transform_indices = #map1}, {transform_indices = #map1}, {transform_indices = #map}, {transform_indices = #map1}]} {
    %mul3A = arith.constant 16 : i32
    %mul3A_0 = arith.muli %arg0, %mul3A : i32
    %add3A = arith.addi %mul3A_0, %arg1 : i32
    "tpu.region"() ({
      %run_scoped3A = tpu.sem_alloc : memref<!tpu.dma_semaphore, #tpu.memory_space<semaphore_mem>>
      %dma_start3A_28 = arith.constant 0 : i32
      %dma_start3A_29 = arith.constant 0 : i32
      %dma_start3A_30 = tpu.memref_slice %arg3[%add3A, %dma_start3A_28, %dma_start3A_29] : memref<32x100x100xi32, #tpu.memory_space<hbm>> -> memref<1x100x100xi32, #tpu.memory_space<hbm>>
      %dma_start3A_31 = tpu.memref_squeeze %dma_start3A_30 : memref<1x100x100xi32, #tpu.memory_space<hbm>> -> memref<100x100xi32, #tpu.memory_space<hbm>>
      %dma_start3A_32 = arith.constant 0 : i32
      %dma_start3A_33 = arith.constant 0 : i32
      %dma_start3A_34 = tpu.memref_slice %arg3[%add3A, %dma_start3A_32, %dma_start3A_33] : memref<32x100x100xi32, #tpu.memory_space<hbm>> -> memref<1x100x100xi32, #tpu.memory_space<hbm>>
      %dma_start3A_35 = tpu.memref_squeeze %dma_start3A_34 : memref<1x100x100xi32, #tpu.memory_space<hbm>> -> memref<100x100xi32, #tpu.memory_space<hbm>>
      tpu.enqueue_dma source(%dma_start3A_35 : memref<100x100xi32, #tpu.memory_space<hbm>>) target(%arg7 : memref<100x100xi32, #tpu.memory_space<vmem>>) target_semaphore(%run_scoped3A : memref<!tpu.dma_semaphore, #tpu.memory_space<semaphore_mem>>)
      %dma_wait3A = arith.constant 0 : i32
      %dma_wait3A_36 = arith.constant 0 : i32
      %dma_wait3A_37 = tpu.memref_slice %arg3[%add3A, %dma_wait3A, %dma_wait3A_36] : memref<32x100x100xi32, #tpu.memory_space<hbm>> -> memref<1x100x100xi32, #tpu.memory_space<hbm>>
      %dma_wait3A_38 = tpu.memref_squeeze %dma_wait3A_37 : memref<1x100x100xi32, #tpu.memory_space<hbm>> -> memref<100x100xi32, #tpu.memory_space<hbm>>
      %dma_wait3A_39 = arith.constant 0 : i32
      %dma_wait3A_40 = arith.constant 0 : i32
      %dma_wait3A_41 = tpu.memref_slice %arg3[%add3A, %dma_wait3A_39, %dma_wait3A_40] : memref<32x100x100xi32, #tpu.memory_space<hbm>> -> memref<1x100x100xi32, #tpu.memory_space<hbm>>
      %dma_wait3A_42 = tpu.memref_squeeze %dma_wait3A_41 : memref<1x100x100xi32, #tpu.memory_space<hbm>> -> memref<100x100xi32, #tpu.memory_space<hbm>>
      tpu.wait_dma2 semaphore(%run_scoped3A : memref<!tpu.dma_semaphore, #tpu.memory_space<semaphore_mem>>) src(%dma_wait3A_42 : memref<100x100xi32, #tpu.memory_space<hbm>>) dst(%arg7 : memref<100x100xi32, #tpu.memory_space<vmem>>)
      tpu.yield
    }) : () -> ()
    "tpu.region"() ({
      %run_scoped3A = tpu.sem_alloc : memref<!tpu.dma_semaphore, #tpu.memory_space<semaphore_mem>>
      %dma_start3A_28 = arith.constant 0 : i32
      %dma_start3A_29 = arith.constant 0 : i32
      %dma_start3A_30 = tpu.memref_slice %arg4[%add3A, %dma_start3A_28, %dma_start3A_29] : memref<32x100x100xi32, #tpu.memory_space<hbm>> -> memref<1x100x100xi32, #tpu.memory_space<hbm>>
      %dma_start3A_31 = tpu.memref_squeeze %dma_start3A_30 : memref<1x100x100xi32, #tpu.memory_space<hbm>> -> memref<100x100xi32, #tpu.memory_space<hbm>>
      %dma_start3A_32 = arith.constant 0 : i32
      %dma_start3A_33 = arith.constant 0 : i32
      %dma_start3A_34 = tpu.memref_slice %arg4[%add3A, %dma_start3A_32, %dma_start3A_33] : memref<32x100x100xi32, #tpu.memory_space<hbm>> -> memref<1x100x100xi32, #tpu.memory_space<hbm>>
      %dma_start3A_35 = tpu.memref_squeeze %dma_start3A_34 : memref<1x100x100xi32, #tpu.memory_space<hbm>> -> memref<100x100xi32, #tpu.memory_space<hbm>>
      tpu.enqueue_dma source(%dma_start3A_35 : memref<100x100xi32, #tpu.memory_space<hbm>>) target(%arg8 : memref<100x100xi32, #tpu.memory_space<vmem>>) target_semaphore(%run_scoped3A : memref<!tpu.dma_semaphore, #tpu.memory_space<semaphore_mem>>)
      %dma_wait3A = arith.constant 0 : i32
      %dma_wait3A_36 = arith.constant 0 : i32
      %dma_wait3A_37 = tpu.memref_slice %arg4[%add3A, %dma_wait3A, %dma_wait3A_36] : memref<32x100x100xi32, #tpu.memory_space<hbm>> -> memref<1x100x100xi32, #tpu.memory_space<hbm>>
      %dma_wait3A_38 = tpu.memref_squeeze %dma_wait3A_37 : memref<1x100x100xi32, #tpu.memory_space<hbm>> -> memref<100x100xi32, #tpu.memory_space<hbm>>
      %dma_wait3A_39 = arith.constant 0 : i32
      %dma_wait3A_40 = arith.constant 0 : i32
      %dma_wait3A_41 = tpu.memref_slice %arg4[%add3A, %dma_wait3A_39, %dma_wait3A_40] : memref<32x100x100xi32, #tpu.memory_space<hbm>> -> memref<1x100x100xi32, #tpu.memory_space<hbm>>
      %dma_wait3A_42 = tpu.memref_squeeze %dma_wait3A_41 : memref<1x100x100xi32, #tpu.memory_space<hbm>> -> memref<100x100xi32, #tpu.memory_space<hbm>>
      tpu.wait_dma2 semaphore(%run_scoped3A : memref<!tpu.dma_semaphore, #tpu.memory_space<semaphore_mem>>) src(%dma_wait3A_42 : memref<100x100xi32, #tpu.memory_space<hbm>>) dst(%arg8 : memref<100x100xi32, #tpu.memory_space<vmem>>)
      tpu.yield
    }) : () -> ()
    %mul3A_1 = arith.constant 625 : i32
    %mul3A_2 = arith.muli %arg1, %mul3A_1 : i32
    %mul3A_3 = arith.constant 625 : i32
    %mul3A_4 = arith.muli %arg1, %mul3A_3 : i32
    "tpu.region"() ({
      %run_scoped3A = tpu.sem_alloc : memref<!tpu.dma_semaphore, #tpu.memory_space<semaphore_mem>>
      %dma_start3A_28 = arith.constant 0 : i32
      %dma_start3A_29 = tpu.memref_slice %arg11[%mul3A_4, %dma_start3A_28] : memref<10000x144xbf16, #tpu.memory_space<vmem_shared>> -> memref<625x144xbf16, #tpu.memory_space<vmem_shared>>
      %dma_start3A_30 = arith.constant 0 : i32
      %dma_start3A_31 = tpu.memref_slice %arg5[%mul3A_2, %dma_start3A_30] : memref<10000x144xbf16, #tpu.memory_space<hbm>> -> memref<625x144xbf16, #tpu.memory_space<hbm>>
      tpu.enqueue_dma source(%dma_start3A_31 : memref<625x144xbf16, #tpu.memory_space<hbm>>) target(%dma_start3A_29 : memref<625x144xbf16, #tpu.memory_space<vmem_shared>>) target_semaphore(%run_scoped3A : memref<!tpu.dma_semaphore, #tpu.memory_space<semaphore_mem>>)
      %dma_wait3A = arith.constant 0 : i32
      %dma_wait3A_32 = tpu.memref_slice %arg11[%mul3A_4, %dma_wait3A] : memref<10000x144xbf16, #tpu.memory_space<vmem_shared>> -> memref<625x144xbf16, #tpu.memory_space<vmem_shared>>
      %dma_wait3A_33 = arith.constant 0 : i32
      %dma_wait3A_34 = tpu.memref_slice %arg5[%mul3A_2, %dma_wait3A_33] : memref<10000x144xbf16, #tpu.memory_space<hbm>> -> memref<625x144xbf16, #tpu.memory_space<hbm>>
      tpu.wait_dma2 semaphore(%run_scoped3A : memref<!tpu.dma_semaphore, #tpu.memory_space<semaphore_mem>>) src(%dma_wait3A_34 : memref<625x144xbf16, #tpu.memory_space<hbm>>) dst(%dma_wait3A_32 : memref<625x144xbf16, #tpu.memory_space<vmem_shared>>)
      tpu.yield
    }) : () -> ()
    %barrier3A = arith.constant 0 : index
    tpu.barrier barrier_id(%barrier3A)
    %dma_start3A = arith.constant 0 : i32
    %dma_start3A_5 = arith.constant 0 : i32
    %dma_start3A_6 = tpu.memref_slice %arg7[%dma_start3A, %dma_start3A_5] : memref<100x100xi32, #tpu.memory_space<vmem>> -> memref<1x100xi32, #tpu.memory_space<vmem>>
    %dma_start3A_7 = tpu.memref_squeeze %dma_start3A_6 : memref<1x100xi32, #tpu.memory_space<vmem>> -> memref<100xi32, #tpu.memory_space<vmem>>
    %dma_start3A_8 = arith.constant 0 : i32
    %dma_start3A_9 = arith.constant 0 : i32
    %dma_start3A_10 = tpu.memref_slice %arg2[%dma_start3A_8, %dma_start3A_9] : memref<10000x144xbf16, #tpu.memory_space<hbm>> -> memref<10000x144xbf16, #tpu.memory_space<hbm>>
    tpu.enqueue_indirect_dma source(%dma_start3A_10 : memref<10000x144xbf16, #tpu.memory_space<hbm>>) target(%arg9 : memref<100x144xbf16, #tpu.memory_space<vmem>>) offsets(%dma_start3A_7 : memref<100xi32, #tpu.memory_space<vmem>>) semaphore(%arg12 : memref<!tpu.dma_semaphore, #tpu.memory_space<semaphore_mem>>)
    %dma_start3A_11 = arith.constant 1 : i32
    %dma_start3A_12 = arith.constant 0 : i32
    %dma_start3A_13 = tpu.memref_slice %arg7[%dma_start3A_11, %dma_start3A_12] : memref<100x100xi32, #tpu.memory_space<vmem>> -> memref<1x100xi32, #tpu.memory_space<vmem>>
    %dma_start3A_14 = tpu.memref_squeeze %dma_start3A_13 : memref<1x100xi32, #tpu.memory_space<vmem>> -> memref<100xi32, #tpu.memory_space<vmem>>
    %dma_start3A_15 = arith.constant 0 : i32
    %dma_start3A_16 = arith.constant 0 : i32
    %dma_start3A_17 = tpu.memref_slice %arg2[%dma_start3A_15, %dma_start3A_16] : memref<10000x144xbf16, #tpu.memory_space<hbm>> -> memref<10000x144xbf16, #tpu.memory_space<hbm>>
    tpu.enqueue_indirect_dma source(%dma_start3A_17 : memref<10000x144xbf16, #tpu.memory_space<hbm>>) target(%arg10 : memref<100x144xbf16, #tpu.memory_space<vmem>>) offsets(%dma_start3A_14 : memref<100xi32, #tpu.memory_space<vmem>>) semaphore(%arg13 : memref<!tpu.dma_semaphore, #tpu.memory_space<semaphore_mem>>)
    %scan3A = arith.constant 0 : i32
    %scan3A_18 = arith.constant 0 : i32
    %scan3A_19 = arith.constant 50 : i32
    %scan3A_20 = arith.addi %scan3A_18, %scan3A_19 : i32
    %scan3A_21 = arith.constant 1 : i32
    scf.for %scan3A_28 = %scan3A_18 to %scan3A_20 step %scan3A_21  : i32 {
      %mul3A_29 = arith.constant 2 : i32
      %mul3A_30 = arith.muli %mul3A_29, %scan3A_28 : i32
      %mul3A_31 = arith.constant 2 : i32
      %mul3A_32 = arith.muli %mul3A_31, %scan3A_28 : i32
      %add3A_33 = arith.constant 1 : i32
      %add3A_34 = arith.addi %mul3A_32, %add3A_33 : i32
      %dma_wait3A = arith.constant 0 : i32
      %dma_wait3A_35 = tpu.memref_slice %arg7[%mul3A_30, %dma_wait3A] : memref<100x100xi32, #tpu.memory_space<vmem>> -> memref<1x100xi32, #tpu.memory_space<vmem>>
      %dma_wait3A_36 = tpu.memref_squeeze %dma_wait3A_35 : memref<1x100xi32, #tpu.memory_space<vmem>> -> memref<100xi32, #tpu.memory_space<vmem>>
      %dma_wait3A_37 = arith.constant 0 : i32
      %dma_wait3A_38 = arith.constant 0 : i32
      %dma_wait3A_39 = tpu.memref_slice %arg2[%dma_wait3A_37, %dma_wait3A_38] : memref<10000x144xbf16, #tpu.memory_space<hbm>> -> memref<10000x144xbf16, #tpu.memory_space<hbm>>
      tpu.wait_indirect_dma semaphore(%arg12 : memref<!tpu.dma_semaphore, #tpu.memory_space<semaphore_mem>>) src(%dma_wait3A_39 : memref<10000x144xbf16, #tpu.memory_space<hbm>>) dst(%arg9 : memref<100x144xbf16, #tpu.memory_space<vmem>>)
      "tpu.region"() ({
        %run_scoped3A = tpu.sem_alloc : memref<!tpu.dma_semaphore, #tpu.memory_space<semaphore_mem>>
        %dma_start3A_57 = arith.constant 0 : i32
        %dma_start3A_58 = tpu.memref_slice %arg8[%mul3A_30, %dma_start3A_57] : memref<100x100xi32, #tpu.memory_space<vmem>> -> memref<1x100xi32, #tpu.memory_space<vmem>>
        %dma_start3A_59 = tpu.memref_squeeze %dma_start3A_58 : memref<1x100xi32, #tpu.memory_space<vmem>> -> memref<100xi32, #tpu.memory_space<vmem>>
        %dma_start3A_60 = arith.constant 0 : i32
        %dma_start3A_61 = arith.constant 0 : i32
        %dma_start3A_62 = tpu.memref_slice %arg11[%dma_start3A_60, %dma_start3A_61] : memref<10000x144xbf16, #tpu.memory_space<vmem_shared>> -> memref<10000x144xbf16, #tpu.memory_space<vmem_shared>>
        tpu.enqueue_indirect_dma source(%arg9 : memref<100x144xbf16, #tpu.memory_space<vmem>>) target(%dma_start3A_62 : memref<10000x144xbf16, #tpu.memory_space<vmem_shared>>) offsets(%dma_start3A_59 : memref<100xi32, #tpu.memory_space<vmem>>) semaphore(%run_scoped3A : memref<!tpu.dma_semaphore, #tpu.memory_space<semaphore_mem>>) {add = true}
        %dma_wait3A_63 = arith.constant 0 : i32
        %dma_wait3A_64 = tpu.memref_slice %arg8[%mul3A_30, %dma_wait3A_63] : memref<100x100xi32, #tpu.memory_space<vmem>> -> memref<1x100xi32, #tpu.memory_space<vmem>>
        %dma_wait3A_65 = tpu.memref_squeeze %dma_wait3A_64 : memref<1x100xi32, #tpu.memory_space<vmem>> -> memref<100xi32, #tpu.memory_space<vmem>>
        %dma_wait3A_66 = arith.constant 0 : i32
        %dma_wait3A_67 = arith.constant 0 : i32
        %dma_wait3A_68 = tpu.memref_slice %arg11[%dma_wait3A_66, %dma_wait3A_67] : memref<10000x144xbf16, #tpu.memory_space<vmem_shared>> -> memref<10000x144xbf16, #tpu.memory_space<vmem_shared>>
        tpu.wait_indirect_dma semaphore(%run_scoped3A : memref<!tpu.dma_semaphore, #tpu.memory_space<semaphore_mem>>) src(%arg9 : memref<100x144xbf16, #tpu.memory_space<vmem>>) dst(%dma_wait3A_68 : memref<10000x144xbf16, #tpu.memory_space<vmem_shared>>)
        tpu.yield
      }) : () -> ()
      %add3A_40 = arith.constant 2 : i32
      %add3A_41 = arith.addi %mul3A_30, %add3A_40 : i32
      %lt3A = arith.constant 100 : i32
      %lt3A_42 = arith.cmpi slt, %add3A_41, %lt3A : i32
      %convert_element_type3A = arith.extui %lt3A_42 : i1 to i32
      %cond3A = arith.constant 0 : i32
      %cond3A_43 = arith.cmpi ne, %convert_element_type3A, %cond3A : i32
      scf.if %cond3A_43 {
        %add3A_57 = arith.constant 2 : i32
        %add3A_58 = arith.addi %mul3A_30, %add3A_57 : i32
        %dma_start3A_59 = arith.constant 0 : i32
        %dma_start3A_60 = tpu.memref_slice %arg7[%add3A_58, %dma_start3A_59] : memref<100x100xi32, #tpu.memory_space<vmem>> -> memref<1x100xi32, #tpu.memory_space<vmem>>
        %dma_start3A_61 = tpu.memref_squeeze %dma_start3A_60 : memref<1x100xi32, #tpu.memory_space<vmem>> -> memref<100xi32, #tpu.memory_space<vmem>>
        %dma_start3A_62 = arith.constant 0 : i32
        %dma_start3A_63 = arith.constant 0 : i32
        %dma_start3A_64 = tpu.memref_slice %arg2[%dma_start3A_62, %dma_start3A_63] : memref<10000x144xbf16, #tpu.memory_space<hbm>> -> memref<10000x144xbf16, #tpu.memory_space<hbm>>
        tpu.enqueue_indirect_dma source(%dma_start3A_64 : memref<10000x144xbf16, #tpu.memory_space<hbm>>) target(%arg9 : memref<100x144xbf16, #tpu.memory_space<vmem>>) offsets(%dma_start3A_61 : memref<100xi32, #tpu.memory_space<vmem>>) semaphore(%arg12 : memref<!tpu.dma_semaphore, #tpu.memory_space<semaphore_mem>>)
      } else {
      }
      %dma_wait3A_44 = arith.constant 0 : i32
      %dma_wait3A_45 = tpu.memref_slice %arg7[%add3A_34, %dma_wait3A_44] : memref<100x100xi32, #tpu.memory_space<vmem>> -> memref<1x100xi32, #tpu.memory_space<vmem>>
      %dma_wait3A_46 = tpu.memref_squeeze %dma_wait3A_45 : memref<1x100xi32, #tpu.memory_space<vmem>> -> memref<100xi32, #tpu.memory_space<vmem>>
      %dma_wait3A_47 = arith.constant 0 : i32
      %dma_wait3A_48 = arith.constant 0 : i32
      %dma_wait3A_49 = tpu.memref_slice %arg2[%dma_wait3A_47, %dma_wait3A_48] : memref<10000x144xbf16, #tpu.memory_space<hbm>> -> memref<10000x144xbf16, #tpu.memory_space<hbm>>
      tpu.wait_indirect_dma semaphore(%arg13 : memref<!tpu.dma_semaphore, #tpu.memory_space<semaphore_mem>>) src(%dma_wait3A_49 : memref<10000x144xbf16, #tpu.memory_space<hbm>>) dst(%arg10 : memref<100x144xbf16, #tpu.memory_space<vmem>>)
      "tpu.region"() ({
        %run_scoped3A = tpu.sem_alloc : memref<!tpu.dma_semaphore, #tpu.memory_space<semaphore_mem>>
        %dma_start3A_57 = arith.constant 0 : i32
        %dma_start3A_58 = tpu.memref_slice %arg8[%add3A_34, %dma_start3A_57] : memref<100x100xi32, #tpu.memory_space<vmem>> -> memref<1x100xi32, #tpu.memory_space<vmem>>
        %dma_start3A_59 = tpu.memref_squeeze %dma_start3A_58 : memref<1x100xi32, #tpu.memory_space<vmem>> -> memref<100xi32, #tpu.memory_space<vmem>>
        %dma_start3A_60 = arith.constant 0 : i32
        %dma_start3A_61 = arith.constant 0 : i32
        %dma_start3A_62 = tpu.memref_slice %arg11[%dma_start3A_60, %dma_start3A_61] : memref<10000x144xbf16, #tpu.memory_space<vmem_shared>> -> memref<10000x144xbf16, #tpu.memory_space<vmem_shared>>
        tpu.enqueue_indirect_dma source(%arg10 : memref<100x144xbf16, #tpu.memory_space<vmem>>) target(%dma_start3A_62 : memref<10000x144xbf16, #tpu.memory_space<vmem_shared>>) offsets(%dma_start3A_59 : memref<100xi32, #tpu.memory_space<vmem>>) semaphore(%run_scoped3A : memref<!tpu.dma_semaphore, #tpu.memory_space<semaphore_mem>>) {add = true}
        %dma_wait3A_63 = arith.constant 0 : i32
        %dma_wait3A_64 = tpu.memref_slice %arg8[%add3A_34, %dma_wait3A_63] : memref<100x100xi32, #tpu.memory_space<vmem>> -> memref<1x100xi32, #tpu.memory_space<vmem>>
        %dma_wait3A_65 = tpu.memref_squeeze %dma_wait3A_64 : memref<1x100xi32, #tpu.memory_space<vmem>> -> memref<100xi32, #tpu.memory_space<vmem>>
        %dma_wait3A_66 = arith.constant 0 : i32
        %dma_wait3A_67 = arith.constant 0 : i32
        %dma_wait3A_68 = tpu.memref_slice %arg11[%dma_wait3A_66, %dma_wait3A_67] : memref<10000x144xbf16, #tpu.memory_space<vmem_shared>> -> memref<10000x144xbf16, #tpu.memory_space<vmem_shared>>
        tpu.wait_indirect_dma semaphore(%run_scoped3A : memref<!tpu.dma_semaphore, #tpu.memory_space<semaphore_mem>>) src(%arg10 : memref<100x144xbf16, #tpu.memory_space<vmem>>) dst(%dma_wait3A_68 : memref<10000x144xbf16, #tpu.memory_space<vmem_shared>>)
        tpu.yield
      }) : () -> ()
      %add3A_50 = arith.constant 2 : i32
      %add3A_51 = arith.addi %add3A_34, %add3A_50 : i32
      %lt3A_52 = arith.constant 100 : i32
      %lt3A_53 = arith.cmpi slt, %add3A_51, %lt3A_52 : i32
      %convert_element_type3A_54 = arith.extui %lt3A_53 : i1 to i32
      %cond3A_55 = arith.constant 0 : i32
      %cond3A_56 = arith.cmpi ne, %convert_element_type3A_54, %cond3A_55 : i32
      scf.if %cond3A_56 {
        %add3A_57 = arith.constant 2 : i32
        %add3A_58 = arith.addi %add3A_34, %add3A_57 : i32
        %dma_start3A_59 = arith.constant 0 : i32
        %dma_start3A_60 = tpu.memref_slice %arg7[%add3A_58, %dma_start3A_59] : memref<100x100xi32, #tpu.memory_space<vmem>> -> memref<1x100xi32, #tpu.memory_space<vmem>>
        %dma_start3A_61 = tpu.memref_squeeze %dma_start3A_60 : memref<1x100xi32, #tpu.memory_space<vmem>> -> memref<100xi32, #tpu.memory_space<vmem>>
        %dma_start3A_62 = arith.constant 0 : i32
        %dma_start3A_63 = arith.constant 0 : i32
        %dma_start3A_64 = tpu.memref_slice %arg2[%dma_start3A_62, %dma_start3A_63] : memref<10000x144xbf16, #tpu.memory_space<hbm>> -> memref<10000x144xbf16, #tpu.memory_space<hbm>>
        tpu.enqueue_indirect_dma source(%dma_start3A_64 : memref<10000x144xbf16, #tpu.memory_space<hbm>>) target(%arg10 : memref<100x144xbf16, #tpu.memory_space<vmem>>) offsets(%dma_start3A_61 : memref<100xi32, #tpu.memory_space<vmem>>) semaphore(%arg13 : memref<!tpu.dma_semaphore, #tpu.memory_space<semaphore_mem>>)
      } else {
      }
    }
    %scan3A_22 = arith.constant 50 : i32
    %barrier3A_23 = arith.constant 0 : index
    tpu.barrier barrier_id(%barrier3A_23)
    %mul3A_24 = arith.constant 625 : i32
    %mul3A_25 = arith.muli %arg1, %mul3A_24 : i32
    %mul3A_26 = arith.constant 625 : i32
    %mul3A_27 = arith.muli %arg1, %mul3A_26 : i32
    "tpu.region"() ({
      %run_scoped3A = tpu.sem_alloc : memref<!tpu.dma_semaphore, #tpu.memory_space<semaphore_mem>>
      %dma_start3A_28 = arith.constant 0 : i32
      %dma_start3A_29 = tpu.memref_slice %arg6[%arg0, %mul3A_27, %dma_start3A_28] : memref<2x10000x144xbf16, #tpu.memory_space<hbm>> -> memref<1x625x144xbf16, #tpu.memory_space<hbm>>
      %dma_start3A_30 = tpu.memref_squeeze %dma_start3A_29 : memref<1x625x144xbf16, #tpu.memory_space<hbm>> -> memref<625x144xbf16, #tpu.memory_space<hbm>>
      %dma_start3A_31 = arith.constant 0 : i32
      %dma_start3A_32 = tpu.memref_slice %arg11[%mul3A_25, %dma_start3A_31] : memref<10000x144xbf16, #tpu.memory_space<vmem_shared>> -> memref<625x144xbf16, #tpu.memory_space<vmem_shared>>
      tpu.enqueue_dma source(%dma_start3A_32 : memref<625x144xbf16, #tpu.memory_space<vmem_shared>>) target(%dma_start3A_30 : memref<625x144xbf16, #tpu.memory_space<hbm>>) target_semaphore(%run_scoped3A : memref<!tpu.dma_semaphore, #tpu.memory_space<semaphore_mem>>)
      %dma_wait3A = arith.constant 0 : i32
      %dma_wait3A_33 = tpu.memref_slice %arg6[%arg0, %mul3A_27, %dma_wait3A] : memref<2x10000x144xbf16, #tpu.memory_space<hbm>> -> memref<1x625x144xbf16, #tpu.memory_space<hbm>>
      %dma_wait3A_34 = tpu.memref_squeeze %dma_wait3A_33 : memref<1x625x144xbf16, #tpu.memory_space<hbm>> -> memref<625x144xbf16, #tpu.memory_space<hbm>>
      %dma_wait3A_35 = arith.constant 0 : i32
      %dma_wait3A_36 = tpu.memref_slice %arg11[%mul3A_25, %dma_wait3A_35] : memref<10000x144xbf16, #tpu.memory_space<vmem_shared>> -> memref<625x144xbf16, #tpu.memory_space<vmem_shared>>
      tpu.wait_dma2 semaphore(%run_scoped3A : memref<!tpu.dma_semaphore, #tpu.memory_space<semaphore_mem>>) src(%dma_wait3A_36 : memref<625x144xbf16, #tpu.memory_space<vmem_shared>>) dst(%dma_wait3A_34 : memref<625x144xbf16, #tpu.memory_space<hbm>>)
      tpu.yield
    }) : () -> ()
    return
  }
}

module attributes {stable_mosaic.version = 14 : i64} {
  func.func @_prep_body(%arg0: i32, %arg1: memref<1000x128xf32, #tpu.memory_space<vmem>>, %arg2: memref<128x128xf32, #tpu.memory_space<vmem>>, %arg3: memref<128x128xf32, #tpu.memory_space<vmem>>, %arg4: memref<128xf32, #tpu.memory_space<vmem>>, %arg5: memref<1000x144xbf16, #tpu.memory_space<vmem>>, %arg6: memref<1000x128xf32, #tpu.memory_space<vmem>>) attributes {dimension_semantics = [#tpu.dimension_semantics<arbitrary>], iteration_bounds = array<i64: 10>, scalar_prefetch = 0 : i64, scratch_operands = 0 : i64, tpu.core_type = #tpu.core_type<tc>, window_params = [{transform_indices = @transform_0, window_bounds = array<i64: 1000, 128>}, {pipeline_mode = #tpu.pipeline_mode<synchronous>, transform_indices = @transform_1, window_bounds = array<i64: 128, 128>}, {pipeline_mode = #tpu.pipeline_mode<synchronous>, transform_indices = @transform_2, window_bounds = array<i64: 128, 128>}, {pipeline_mode = #tpu.pipeline_mode<synchronous>, transform_indices = @transform_3, window_bounds = array<i64: 128>}, {transform_indices = @transform_4, window_bounds = array<i64: 1000, 144>}, {transform_indices = @transform_5, window_bounds = array<i64: 1000, 128>}]} {
    %get3A = arith.constant 0 : index
    %get3A_0 = arith.constant 0 : index
    %get3A_1 = vector.load %arg1[%get3A, %get3A_0] : memref<1000x128xf32, #tpu.memory_space<vmem>>, vector<1000x128xf32>
    %get3A_2 = arith.constant 0 : index
    %get3A_3 = arith.constant 0 : index
    %get3A_4 = vector.load %arg2[%get3A_2, %get3A_3] : memref<128x128xf32, #tpu.memory_space<vmem>>, vector<128x128xf32>
    %dot_general3A = arith.constant dense<0.000000e+00> : vector<1000x128xf32>
    %dot_general3A_5 = tpu.matmul %get3A_1, %get3A_4, %dot_general3A {dimension_numbers = #tpu.dot_dimension_numbers<[1], [0], [0], [1], [0, 0, 1, 1], [], []>, transpose_lhs_hint = false} : vector<1000x128xf32>, vector<128x128xf32>, vector<1000x128xf32> -> vector<1000x128xf32>
    %convert_element_type3A = arith.truncf %dot_general3A_5 : vector<1000x128xf32> to vector<1000x128xbf16>
    %swap3A = arith.constant 0 : index
    %swap3A_6 = arith.constant 0 : index
    %swap3A_7 = vector.load %arg5[%swap3A, %swap3A_6] : memref<1000x144xbf16, #tpu.memory_space<vmem>>, vector<1000x128xbf16>
    tpu.vector_store %arg5[%swap3A, %swap3A_6], %convert_element_type3A {strides = array<i32>} : memref<1000x144xbf16, #tpu.memory_space<vmem>>, vector<1000x128xbf16>,
    %iota3A = tpu.iota {dimensions = array<i32: 1>} : vector<1000x16xi32>
    %eq3A = arith.constant 0 : i32
    %eq3A_8 = vector.broadcast %eq3A : i32 to vector<1000x16xi32>
    %eq3A_9 = arith.cmpi eq, %iota3A, %eq3A_8 : vector<1000x16xi32>
    %jit3A = arith.constant 1.000000e+00 : f32
    %jit3A_10 = arith.constant 0.000000e+00 : f32
    %broadcast_in_dim3A = vector.broadcast %jit3A : f32 to vector<1000x16xf32>
    %broadcast_in_dim3A_11 = vector.broadcast %jit3A_10 : f32 to vector<1000x16xf32>
    %select_n3A = arith.select %eq3A_9, %broadcast_in_dim3A, %broadcast_in_dim3A_11 : vector<1000x16xi1>, vector<1000x16xf32>
    %convert_element_type3A_12 = arith.truncf %select_n3A : vector<1000x16xf32> to vector<1000x16xbf16>
    %swap3A_13 = arith.constant 0 : index
    %swap3A_14 = arith.constant 128 : index
    %swap3A_15 = vector.load %arg5[%swap3A_13, %swap3A_14] : memref<1000x144xbf16, #tpu.memory_space<vmem>>, vector<1000x16xbf16>
    tpu.vector_store %arg5[%swap3A_13, %swap3A_14], %convert_element_type3A_12 {strides = array<i32>} : memref<1000x144xbf16, #tpu.memory_space<vmem>>, vector<1000x16xbf16>,
    %get3A_16 = arith.constant 0 : index
    %get3A_17 = arith.constant 0 : index
    %get3A_18 = vector.load %arg3[%get3A_16, %get3A_17] : memref<128x128xf32, #tpu.memory_space<vmem>>, vector<128x128xf32>
    %dot_general3A_19 = arith.constant dense<0.000000e+00> : vector<1000x128xf32>
    %dot_general3A_20 = tpu.matmul %get3A_1, %get3A_18, %dot_general3A_19 {dimension_numbers = #tpu.dot_dimension_numbers<[1], [0], [0], [1], [0, 0, 1, 1], [], []>, transpose_lhs_hint = false} : vector<1000x128xf32>, vector<128x128xf32>, vector<1000x128xf32> -> vector<1000x128xf32>
    %get3A_21 = arith.constant 0 : index
    %get3A_22 = vector.load %arg4[%get3A_21] : memref<128xf32, #tpu.memory_space<vmem>>, vector<128xf32>
    %broadcast_in_dim3A_23 = vector.shape_cast %get3A_22 : vector<128xf32> to vector<1x128xf32>
    %add3A = vector.broadcast %broadcast_in_dim3A_23 : vector<1x128xf32> to vector<1000x128xf32>
    %add3A_24 = arith.addf %dot_general3A_20, %add3A : vector<1000x128xf32>
    %swap3A_25 = arith.constant 0 : index
    %swap3A_26 = arith.constant 0 : index
    %swap3A_27 = vector.load %arg6[%swap3A_25, %swap3A_26] : memref<1000x128xf32, #tpu.memory_space<vmem>>, vector<1000x128xf32>
    tpu.vector_store %arg6[%swap3A_25, %swap3A_26], %add3A_24 {strides = array<i32>} : memref<1000x128xf32, #tpu.memory_space<vmem>>, vector<1000x128xf32>,
    return
  }
  func.func @transform_0(%arg0: i32) -> (i32, i32) {
    %c0_i32 = arith.constant 0 : i32
    %c0_i32_0 = arith.constant 0 : i32
    return %arg0, %c0_i32 : i32, i32
  }
  func.func @transform_1(%arg0: i32) -> (i32, i32) {
    %c0_i32 = arith.constant 0 : i32
    %c0_i32_0 = arith.constant 0 : i32
    %c0_i32_1 = arith.constant 0 : i32
    return %c0_i32, %c0_i32_0 : i32, i32
  }
  func.func @transform_2(%arg0: i32) -> (i32, i32) {
    %c0_i32 = arith.constant 0 : i32
    %c0_i32_0 = arith.constant 0 : i32
    %c0_i32_1 = arith.constant 0 : i32
    return %c0_i32, %c0_i32_0 : i32, i32
  }
  func.func @transform_3(%arg0: i32) -> i32 {
    %c0_i32 = arith.constant 0 : i32
    %c0_i32_0 = arith.constant 0 : i32
    return %c0_i32 : i32
  }
  func.func @transform_4(%arg0: i32) -> (i32, i32) {
    %c0_i32 = arith.constant 0 : i32
    %c0_i32_0 = arith.constant 0 : i32
    return %arg0, %c0_i32 : i32, i32
  }
  func.func @transform_5(%arg0: i32) -> (i32, i32) {
    %c0_i32 = arith.constant 0 : i32
    %c0_i32_0 = arith.constant 0 : i32
    return %arg0, %c0_i32 : i32, i32
  }
}

module attributes {stable_mosaic.version = 14 : i64} {
  func.func @_c1_body(%arg0: i32, %arg1: memref<1000x128xf32, #tpu.memory_space<vmem>>, %arg2: memref<2x1000x144xbf16, #tpu.memory_space<vmem>>, %arg3: memref<1000x128xf32, #tpu.memory_space<vmem>>, %arg4: memref<1000x64xf32, #tpu.memory_space<vmem>>, %arg5: memref<8x128xf32, #tpu.memory_space<vmem>>, %arg6: memref<8x128xf32, #tpu.memory_space<vmem>>) attributes {dimension_semantics = [#tpu.dimension_semantics<arbitrary>], iteration_bounds = array<i64: 10>, scalar_prefetch = 0 : i64, scratch_operands = 0 : i64, tpu.core_type = #tpu.core_type<tc>, window_params = [{transform_indices = @transform_0, window_bounds = array<i64: 1000, 128>}, {transform_indices = @transform_1, window_bounds = array<i64: 2, 1000, 144>}, {transform_indices = @transform_2, window_bounds = array<i64: 1000, 128>}, {transform_indices = @transform_3, window_bounds = array<i64: 1000, 64>}, {pipeline_mode = #tpu.pipeline_mode<synchronous>, transform_indices = @transform_4, window_bounds = array<i64: 8, 128>}, {pipeline_mode = #tpu.pipeline_mode<synchronous>, transform_indices = @transform_5, window_bounds = array<i64: 8, 128>}]} {
    %get3A = arith.constant 0 : index
    %get3A_0 = arith.constant 0 : index
    %get3A_1 = arith.constant 0 : index
    %get3A_2 = vector.load %arg2[%get3A, %get3A_0, %get3A_1] : memref<2x1000x144xbf16, #tpu.memory_space<vmem>>, vector<1x1000x144xbf16>
    %get3A_3 = vector.shape_cast %get3A_2 : vector<1x1000x144xbf16> to vector<1000x144xbf16>
    %convert_element_type3A = arith.extf %get3A_3 : vector<1000x144xbf16> to vector<1000x144xf32>
    %get3A_4 = arith.constant 1 : index
    %get3A_5 = arith.constant 0 : index
    %get3A_6 = arith.constant 0 : index
    %get3A_7 = vector.load %arg2[%get3A_4, %get3A_5, %get3A_6] : memref<2x1000x144xbf16, #tpu.memory_space<vmem>>, vector<1x1000x144xbf16>
    %get3A_8 = vector.shape_cast %get3A_7 : vector<1x1000x144xbf16> to vector<1000x144xbf16>
    %convert_element_type3A_9 = arith.extf %get3A_8 : vector<1000x144xbf16> to vector<1000x144xf32>
    %add3A = arith.addf %convert_element_type3A, %convert_element_type3A_9 : vector<1000x144xf32>
    %slice3A = vector.extract_strided_slice %add3A {offsets = [0, 128], sizes = [1000, 1], strides = [1, 1]} : vector<1000x144xf32> to vector<1000x1xf32>
    %max3A = arith.constant 1.000000e+00 : f32
    %max3A_10 = vector.broadcast %max3A : f32 to vector<1000x1xf32>
    %max3A_11 = arith.maximumf %slice3A, %max3A_10 : vector<1000x1xf32>
    %div3A = arith.constant 1.000000e+00 : f32
    %div3A_12 = vector.broadcast %div3A : f32 to vector<1000x1xf32>
    %div3A_13 = arith.divf %div3A_12, %max3A_11 : vector<1000x1xf32>
    %get3A_14 = arith.constant 0 : index
    %get3A_15 = arith.constant 0 : index
    %get3A_16 = vector.load %arg1[%get3A_14, %get3A_15] : memref<1000x128xf32, #tpu.memory_space<vmem>>, vector<1000x128xf32>
    %slice3A_17 = vector.extract_strided_slice %add3A {offsets = [0, 0], sizes = [1000, 128], strides = [1, 1]} : vector<1000x144xf32> to vector<1000x128xf32>
    %mul3A = vector.broadcast %div3A_13 : vector<1000x1xf32> to vector<1000x128xf32>
    %mul3A_18 = arith.mulf %slice3A_17, %mul3A : vector<1000x128xf32>
    %add3A_19 = arith.addf %get3A_16, %mul3A_18 : vector<1000x128xf32>
    %swap3A = arith.constant 0 : index
    %swap3A_20 = arith.constant 0 : index
    %swap3A_21 = vector.load %arg3[%swap3A, %swap3A_20] : memref<1000x128xf32, #tpu.memory_space<vmem>>, vector<1000x128xf32>
    tpu.vector_store %arg3[%swap3A, %swap3A_20], %add3A_19 {strides = array<i32>} : memref<1000x128xf32, #tpu.memory_space<vmem>>, vector<1000x128xf32>,
    %broadcast_in_dim3A = vector.shape_cast %div3A_13 : vector<1000x1xf32> to vector<1000x1xf32>
    %broadcast_in_dim3A_22 = vector.broadcast %broadcast_in_dim3A : vector<1000x1xf32> to vector<1000x64xf32>
    %swap3A_23 = arith.constant 0 : index
    %swap3A_24 = arith.constant 0 : index
    %swap3A_25 = vector.load %arg4[%swap3A_23, %swap3A_24] : memref<1000x64xf32, #tpu.memory_space<vmem>>, vector<1000x64xf32>
    tpu.vector_store %arg4[%swap3A_23, %swap3A_24], %broadcast_in_dim3A_22 {strides = array<i32>} : memref<1000x64xf32, #tpu.memory_space<vmem>>, vector<1000x64xf32>,
    %eq3A = arith.constant 0 : i32
    %eq3A_26 = arith.cmpi eq, %arg0, %eq3A : i32
    %convert_element_type3A_27 = arith.extui %eq3A_26 : i1 to i32
    %cond3A = arith.constant 0 : i32
    %cond3A_28 = arith.cmpi ne, %convert_element_type3A_27, %cond3A : i32
    scf.if %cond3A_28 {
      %broadcast_in_dim3A_49 = arith.constant 0.000000e+00 : f32
      %broadcast_in_dim3A_50 = vector.broadcast %broadcast_in_dim3A_49 : f32 to vector<8x128xf32>
      %swap3A_51 = arith.constant 0 : index
      %swap3A_52 = arith.constant 0 : index
      %swap3A_53 = vector.load %arg5[%swap3A_51, %swap3A_52] : memref<8x128xf32, #tpu.memory_space<vmem>>, vector<8x128xf32>
      tpu.vector_store %arg5[%swap3A_51, %swap3A_52], %broadcast_in_dim3A_50 {strides = array<i32>} : memref<8x128xf32, #tpu.memory_space<vmem>>, vector<8x128xf32>,
      %broadcast_in_dim3A_54 = arith.constant 0.000000e+00 : f32
      %broadcast_in_dim3A_55 = vector.broadcast %broadcast_in_dim3A_54 : f32 to vector<8x128xf32>
      %swap3A_56 = arith.constant 0 : index
      %swap3A_57 = arith.constant 0 : index
      %swap3A_58 = vector.load %arg6[%swap3A_56, %swap3A_57] : memref<8x128xf32, #tpu.memory_space<vmem>>, vector<8x128xf32>
      tpu.vector_store %arg6[%swap3A_56, %swap3A_57], %broadcast_in_dim3A_55 {strides = array<i32>} : memref<8x128xf32, #tpu.memory_space<vmem>>, vector<8x128xf32>,
    } else {
    }
    %get3A_29 = arith.constant 0 : index
    %get3A_30 = arith.constant 0 : index
    %get3A_31 = vector.load %arg5[%get3A_29, %get3A_30] : memref<8x128xf32, #tpu.memory_space<vmem>>, vector<1x128xf32>
    %reduce_sum3A = arith.constant dense<0.000000e+00> : vector<128xf32>
    %reduce_sum3A_32 = vector.multi_reduction <add>, %add3A_19, %reduce_sum3A [0] : vector<1000x128xf32> to vector<128xf32>
    %broadcast_in_dim3A_33 = vector.shape_cast %reduce_sum3A_32 : vector<128xf32> to vector<1x128xf32>
    %add3A_34 = arith.addf %get3A_31, %broadcast_in_dim3A_33 : vector<1x128xf32>
    %swap3A_35 = arith.constant 0 : index
    %swap3A_36 = arith.constant 0 : index
    %swap3A_37 = vector.load %arg5[%swap3A_35, %swap3A_36] : memref<8x128xf32, #tpu.memory_space<vmem>>, vector<1x128xf32>
    tpu.vector_store %arg5[%swap3A_35, %swap3A_36], %add3A_34 {strides = array<i32>} : memref<8x128xf32, #tpu.memory_space<vmem>>, vector<1x128xf32>,
    %get3A_38 = arith.constant 0 : index
    %get3A_39 = arith.constant 0 : index
    %get3A_40 = vector.load %arg6[%get3A_38, %get3A_39] : memref<8x128xf32, #tpu.memory_space<vmem>>, vector<1x128xf32>
    %mul3A_41 = arith.mulf %add3A_19, %add3A_19 : vector<1000x128xf32>
    %reduce_sum3A_42 = arith.constant dense<0.000000e+00> : vector<128xf32>
    %reduce_sum3A_43 = vector.multi_reduction <add>, %mul3A_41, %reduce_sum3A_42 [0] : vector<1000x128xf32> to vector<128xf32>
    %broadcast_in_dim3A_44 = vector.shape_cast %reduce_sum3A_43 : vector<128xf32> to vector<1x128xf32>
    %add3A_45 = arith.addf %get3A_40, %broadcast_in_dim3A_44 : vector<1x128xf32>
    %swap3A_46 = arith.constant 0 : index
    %swap3A_47 = arith.constant 0 : index
    %swap3A_48 = vector.load %arg6[%swap3A_46, %swap3A_47] : memref<8x128xf32, #tpu.memory_space<vmem>>, vector<1x128xf32>
    tpu.vector_store %arg6[%swap3A_46, %swap3A_47], %add3A_45 {strides = array<i32>} : memref<8x128xf32, #tpu.memory_space<vmem>>, vector<1x128xf32>,
    return
  }
  func.func @transform_0(%arg0: i32) -> (i32, i32) {
    %c0_i32 = arith.constant 0 : i32
    %c0_i32_0 = arith.constant 0 : i32
    return %arg0, %c0_i32 : i32, i32
  }
  func.func @transform_1(%arg0: i32) -> (i32, i32, i32) {
    %c0_i32 = arith.constant 0 : i32
    %c0_i32_0 = arith.constant 0 : i32
    %c0_i32_1 = arith.constant 0 : i32
    return %c0_i32, %arg0, %c0_i32_0 : i32, i32, i32
  }
  func.func @transform_2(%arg0: i32) -> (i32, i32) {
    %c0_i32 = arith.constant 0 : i32
    %c0_i32_0 = arith.constant 0 : i32
    return %arg0, %c0_i32 : i32, i32
  }
  func.func @transform_3(%arg0: i32) -> (i32, i32) {
    %c0_i32 = arith.constant 0 : i32
    %c0_i32_0 = arith.constant 0 : i32
    return %arg0, %c0_i32 : i32, i32
  }
  func.func @transform_4(%arg0: i32) -> (i32, i32) {
    %c0_i32 = arith.constant 0 : i32
    %c0_i32_0 = arith.constant 0 : i32
    %c0_i32_1 = arith.constant 0 : i32
    return %c0_i32, %c0_i32_0 : i32, i32
  }
  func.func @transform_5(%arg0: i32) -> (i32, i32) {
    %c0_i32 = arith.constant 0 : i32
    %c0_i32_0 = arith.constant 0 : i32
    %c0_i32_1 = arith.constant 0 : i32
    return %c0_i32, %c0_i32_0 : i32, i32
  }
}

module attributes {stable_mosaic.version = 14 : i64} {
  func.func @_c2_body(%arg0: i32, %arg1: memref<1000x128xf32, #tpu.memory_space<vmem>>, %arg2: memref<8x128xf32, #tpu.memory_space<vmem>>, %arg3: memref<8x128xf32, #tpu.memory_space<vmem>>, %arg4: memref<128xf32, #tpu.memory_space<vmem>>, %arg5: memref<128xf32, #tpu.memory_space<vmem>>, %arg6: memref<128x64xf32, #tpu.memory_space<vmem>>, %arg7: memref<128x64xf32, #tpu.memory_space<vmem>>, %arg8: memref<64xf32, #tpu.memory_space<vmem>>, %arg9: memref<1000x64xbf16, #tpu.memory_space<vmem>>, %arg10: memref<1000x64xf32, #tpu.memory_space<vmem>>) attributes {dimension_semantics = [#tpu.dimension_semantics<arbitrary>], iteration_bounds = array<i64: 10>, scalar_prefetch = 0 : i64, scratch_operands = 0 : i64, tpu.core_type = #tpu.core_type<tc>, window_params = [{transform_indices = @transform_0, window_bounds = array<i64: 1000, 128>}, {pipeline_mode = #tpu.pipeline_mode<synchronous>, transform_indices = @transform_1, window_bounds = array<i64: 8, 128>}, {pipeline_mode = #tpu.pipeline_mode<synchronous>, transform_indices = @transform_2, window_bounds = array<i64: 8, 128>}, {pipeline_mode = #tpu.pipeline_mode<synchronous>, transform_indices = @transform_3, window_bounds = array<i64: 128>}, {pipeline_mode = #tpu.pipeline_mode<synchronous>, transform_indices = @transform_4, window_bounds = array<i64: 128>}, {pipeline_mode = #tpu.pipeline_mode<synchronous>, transform_indices = @transform_5, window_bounds = array<i64: 128, 64>}, {pipeline_mode = #tpu.pipeline_mode<synchronous>, transform_indices = @transform_6, window_bounds = array<i64: 128, 64>}, {pipeline_mode = #tpu.pipeline_mode<synchronous>, transform_indices = @transform_7, window_bounds = array<i64: 64>}, {transform_indices = @transform_8, window_bounds = array<i64: 1000, 64>}, {transform_indices = @transform_9, window_bounds = array<i64: 1000, 64>}]} {
    %get3A = arith.constant 0 : index
    %get3A_0 = arith.constant 0 : index
    %get3A_1 = vector.load %arg2[%get3A, %get3A_0] : memref<8x128xf32, #tpu.memory_space<vmem>>, vector<1x128xf32>
    %get3A_2 = vector.shape_cast %get3A_1 : vector<1x128xf32> to vector<128xf32>
    %mul3A = arith.constant 9.99999974E-5 : f32
    %mul3A_3 = vector.broadcast %mul3A : f32 to vector<128xf32>
    %mul3A_4 = arith.mulf %get3A_2, %mul3A_3 : vector<128xf32>
    %get3A_5 = arith.constant 0 : index
    %get3A_6 = arith.constant 0 : index
    %get3A_7 = vector.load %arg3[%get3A_5, %get3A_6] : memref<8x128xf32, #tpu.memory_space<vmem>>, vector<1x128xf32>
    %get3A_8 = vector.shape_cast %get3A_7 : vector<1x128xf32> to vector<128xf32>
    %mul3A_9 = arith.constant 9.99999974E-5 : f32
    %mul3A_10 = vector.broadcast %mul3A_9 : f32 to vector<128xf32>
    %mul3A_11 = arith.mulf %get3A_8, %mul3A_10 : vector<128xf32>
    %mul3A_12 = arith.mulf %mul3A_4, %mul3A_4 : vector<128xf32>
    %sub3A = arith.subf %mul3A_11, %mul3A_12 : vector<128xf32>
    %get3A_13 = arith.constant 0 : index
    %get3A_14 = vector.load %arg4[%get3A_13] : memref<128xf32, #tpu.memory_space<vmem>>, vector<128xf32>
    %add3A = arith.constant 9.99999974E-6 : f32
    %add3A_15 = vector.broadcast %add3A : f32 to vector<128xf32>
    %add3A_16 = arith.addf %sub3A, %add3A_15 : vector<128xf32>
    %rsqrt3A = math.rsqrt %add3A_16 : vector<128xf32>
    %mul3A_17 = arith.mulf %get3A_14, %rsqrt3A : vector<128xf32>
    %get3A_18 = arith.constant 0 : index
    %get3A_19 = arith.constant 0 : index
    %get3A_20 = vector.load %arg1[%get3A_18, %get3A_19] : memref<1000x128xf32, #tpu.memory_space<vmem>>, vector<1000x128xf32>
    %broadcast_in_dim3A = vector.shape_cast %mul3A_4 : vector<128xf32> to vector<1x128xf32>
    %sub3A_21 = vector.broadcast %broadcast_in_dim3A : vector<1x128xf32> to vector<1000x128xf32>
    %sub3A_22 = arith.subf %get3A_20, %sub3A_21 : vector<1000x128xf32>
    %broadcast_in_dim3A_23 = vector.shape_cast %mul3A_17 : vector<128xf32> to vector<1x128xf32>
    %mul3A_24 = vector.broadcast %broadcast_in_dim3A_23 : vector<1x128xf32> to vector<1000x128xf32>
    %mul3A_25 = arith.mulf %sub3A_22, %mul3A_24 : vector<1000x128xf32>
    %get3A_26 = arith.constant 0 : index
    %get3A_27 = vector.load %arg5[%get3A_26] : memref<128xf32, #tpu.memory_space<vmem>>, vector<128xf32>
    %broadcast_in_dim3A_28 = vector.shape_cast %get3A_27 : vector<128xf32> to vector<1x128xf32>
    %add3A_29 = vector.broadcast %broadcast_in_dim3A_28 : vector<1x128xf32> to vector<1000x128xf32>
    %add3A_30 = arith.addf %mul3A_25, %add3A_29 : vector<1000x128xf32>
    %max3A = arith.constant 0.000000e+00 : f32
    %max3A_31 = vector.broadcast %max3A : f32 to vector<1000x128xf32>
    %max3A_32 = arith.maximumf %add3A_30, %max3A_31 : vector<1000x128xf32>
    %get3A_33 = arith.constant 0 : index
    %get3A_34 = arith.constant 0 : index
    %get3A_35 = vector.load %arg7[%get3A_33, %get3A_34] : memref<128x64xf32, #tpu.memory_space<vmem>>, vector<128x64xf32>
    %dot_general3A = arith.constant dense<0.000000e+00> : vector<1000x64xf32>
    %dot_general3A_36 = tpu.matmul %max3A_32, %get3A_35, %dot_general3A {dimension_numbers = #tpu.dot_dimension_numbers<[1], [0], [0], [1], [0, 0, 1, 1], [], []>, transpose_lhs_hint = false} : vector<1000x128xf32>, vector<128x64xf32>, vector<1000x64xf32> -> vector<1000x64xf32>
    %convert_element_type3A = arith.truncf %dot_general3A_36 : vector<1000x64xf32> to vector<1000x64xbf16>
    %swap3A = arith.constant 0 : index
    %swap3A_37 = arith.constant 0 : index
    %swap3A_38 = vector.load %arg9[%swap3A, %swap3A_37] : memref<1000x64xbf16, #tpu.memory_space<vmem>>, vector<1000x64xbf16>
    tpu.vector_store %arg9[%swap3A, %swap3A_37], %convert_element_type3A {strides = array<i32>} : memref<1000x64xbf16, #tpu.memory_space<vmem>>, vector<1000x64xbf16>,
    %get3A_39 = arith.constant 0 : index
    %get3A_40 = arith.constant 0 : index
    %get3A_41 = vector.load %arg6[%get3A_39, %get3A_40] : memref<128x64xf32, #tpu.memory_space<vmem>>, vector<128x64xf32>
    %dot_general3A_42 = arith.constant dense<0.000000e+00> : vector<1000x64xf32>
    %dot_general3A_43 = tpu.matmul %max3A_32, %get3A_41, %dot_general3A_42 {dimension_numbers = #tpu.dot_dimension_numbers<[1], [0], [0], [1], [0, 0, 1, 1], [], []>, transpose_lhs_hint = false} : vector<1000x128xf32>, vector<128x64xf32>, vector<1000x64xf32> -> vector<1000x64xf32>
    %get3A_44 = arith.constant 0 : index
    %get3A_45 = vector.load %arg8[%get3A_44] : memref<64xf32, #tpu.memory_space<vmem>>, vector<64xf32>
    %broadcast_in_dim3A_46 = vector.shape_cast %get3A_45 : vector<64xf32> to vector<1x64xf32>
    %add3A_47 = vector.broadcast %broadcast_in_dim3A_46 : vector<1x64xf32> to vector<1000x64xf32>
    %add3A_48 = arith.addf %dot_general3A_43, %add3A_47 : vector<1000x64xf32>
    %swap3A_49 = arith.constant 0 : index
    %swap3A_50 = arith.constant 0 : index
    %swap3A_51 = vector.load %arg10[%swap3A_49, %swap3A_50] : memref<1000x64xf32, #tpu.memory_space<vmem>>, vector<1000x64xf32>
    tpu.vector_store %arg10[%swap3A_49, %swap3A_50], %add3A_48 {strides = array<i32>} : memref<1000x64xf32, #tpu.memory_space<vmem>>, vector<1000x64xf32>,
    return
  }
  func.func @transform_0(%arg0: i32) -> (i32, i32) {
    %c0_i32 = arith.constant 0 : i32
    %c0_i32_0 = arith.constant 0 : i32
    return %arg0, %c0_i32 : i32, i32
  }
  func.func @transform_1(%arg0: i32) -> (i32, i32) {
    %c0_i32 = arith.constant 0 : i32
    %c0_i32_0 = arith.constant 0 : i32
    %c0_i32_1 = arith.constant 0 : i32
    return %c0_i32, %c0_i32_0 : i32, i32
  }
  func.func @transform_2(%arg0: i32) -> (i32, i32) {
    %c0_i32 = arith.constant 0 : i32
    %c0_i32_0 = arith.constant 0 : i32
    %c0_i32_1 = arith.constant 0 : i32
    return %c0_i32, %c0_i32_0 : i32, i32
  }
  func.func @transform_3(%arg0: i32) -> i32 {
    %c0_i32 = arith.constant 0 : i32
    %c0_i32_0 = arith.constant 0 : i32
    return %c0_i32 : i32
  }
  func.func @transform_4(%arg0: i32) -> i32 {
    %c0_i32 = arith.constant 0 : i32
    %c0_i32_0 = arith.constant 0 : i32
    return %c0_i32 : i32
  }
  func.func @transform_5(%arg0: i32) -> (i32, i32) {
    %c0_i32 = arith.constant 0 : i32
    %c0_i32_0 = arith.constant 0 : i32
    %c0_i32_1 = arith.constant 0 : i32
    return %c0_i32, %c0_i32_0 : i32, i32
  }
  func.func @transform_6(%arg0: i32) -> (i32, i32) {
    %c0_i32 = arith.constant 0 : i32
    %c0_i32_0 = arith.constant 0 : i32
    %c0_i32_1 = arith.constant 0 : i32
    return %c0_i32, %c0_i32_0 : i32, i32
  }
  func.func @transform_7(%arg0: i32) -> i32 {
    %c0_i32 = arith.constant 0 : i32
    %c0_i32_0 = arith.constant 0 : i32
    return %c0_i32 : i32
  }
  func.func @transform_8(%arg0: i32) -> (i32, i32) {
    %c0_i32 = arith.constant 0 : i32
    %c0_i32_0 = arith.constant 0 : i32
    return %arg0, %c0_i32 : i32, i32
  }
  func.func @transform_9(%arg0: i32) -> (i32, i32) {
    %c0_i32 = arith.constant 0 : i32
    %c0_i32_0 = arith.constant 0 : i32
    return %arg0, %c0_i32 : i32, i32
  }
}

module attributes {stable_mosaic.version = 14 : i64} {
  func.func @_e_body(%arg0: i32, %arg1: memref<1000x64xf32, #tpu.memory_space<vmem>>, %arg2: memref<2x1000x64xbf16, #tpu.memory_space<vmem>>, %arg3: memref<1000x64xf32, #tpu.memory_space<vmem>>, %arg4: memref<1000x64xf32, #tpu.memory_space<vmem>>) attributes {dimension_semantics = [#tpu.dimension_semantics<arbitrary>], iteration_bounds = array<i64: 10>, scalar_prefetch = 0 : i64, scratch_operands = 0 : i64, tpu.core_type = #tpu.core_type<tc>, window_params = [{transform_indices = @transform_0, window_bounds = array<i64: 1000, 64>}, {transform_indices = @transform_1, window_bounds = array<i64: 2, 1000, 64>}, {transform_indices = @transform_2, window_bounds = array<i64: 1000, 64>}, {transform_indices = @transform_3, window_bounds = array<i64: 1000, 64>}]} {
    %get3A = arith.constant 0 : index
    %get3A_0 = arith.constant 0 : index
    %get3A_1 = arith.constant 0 : index
    %get3A_2 = vector.load %arg2[%get3A, %get3A_0, %get3A_1] : memref<2x1000x64xbf16, #tpu.memory_space<vmem>>, vector<1x1000x64xbf16>
    %get3A_3 = vector.shape_cast %get3A_2 : vector<1x1000x64xbf16> to vector<1000x64xbf16>
    %convert_element_type3A = arith.extf %get3A_3 : vector<1000x64xbf16> to vector<1000x64xf32>
    %get3A_4 = arith.constant 1 : index
    %get3A_5 = arith.constant 0 : index
    %get3A_6 = arith.constant 0 : index
    %get3A_7 = vector.load %arg2[%get3A_4, %get3A_5, %get3A_6] : memref<2x1000x64xbf16, #tpu.memory_space<vmem>>, vector<1x1000x64xbf16>
    %get3A_8 = vector.shape_cast %get3A_7 : vector<1x1000x64xbf16> to vector<1000x64xbf16>
    %convert_element_type3A_9 = arith.extf %get3A_8 : vector<1000x64xbf16> to vector<1000x64xf32>
    %add3A = arith.addf %convert_element_type3A, %convert_element_type3A_9 : vector<1000x64xf32>
    %get3A_10 = arith.constant 0 : index
    %get3A_11 = arith.constant 0 : index
    %get3A_12 = vector.load %arg1[%get3A_10, %get3A_11] : memref<1000x64xf32, #tpu.memory_space<vmem>>, vector<1000x64xf32>
    %get3A_13 = arith.constant 0 : index
    %get3A_14 = arith.constant 0 : index
    %get3A_15 = vector.load %arg3[%get3A_13, %get3A_14] : memref<1000x64xf32, #tpu.memory_space<vmem>>, vector<1000x64xf32>
    %mul3A = arith.mulf %add3A, %get3A_15 : vector<1000x64xf32>
    %add3A_16 = arith.addf %get3A_12, %mul3A : vector<1000x64xf32>
    %swap3A = arith.constant 0 : index
    %swap3A_17 = arith.constant 0 : index
    %swap3A_18 = vector.load %arg4[%swap3A, %swap3A_17] : memref<1000x64xf32, #tpu.memory_space<vmem>>, vector<1000x64xf32>
    tpu.vector_store %arg4[%swap3A, %swap3A_17], %add3A_16 {strides = array<i32>} : memref<1000x64xf32, #tpu.memory_space<vmem>>, vector<1000x64xf32>,
    return
  }
  func.func @transform_0(%arg0: i32) -> (i32, i32) {
    %c0_i32 = arith.constant 0 : i32
    %c0_i32_0 = arith.constant 0 : i32
    return %arg0, %c0_i32 : i32, i32
  }
  func.func @transform_1(%arg0: i32) -> (i32, i32, i32) {
    %c0_i32 = arith.constant 0 : i32
    %c0_i32_0 = arith.constant 0 : i32
    %c0_i32_1 = arith.constant 0 : i32
    return %c0_i32, %arg0, %c0_i32_0 : i32, i32, i32
  }
  func.func @transform_2(%arg0: i32) -> (i32, i32) {
    %c0_i32 = arith.constant 0 : i32
    %c0_i32_0 = arith.constant 0 : i32
    return %arg0, %c0_i32 : i32, i32
  }
  func.func @transform_3(%arg0: i32) -> (i32, i32) {
    %c0_i32 = arith.constant 0 : i32
    %c0_i32_0 = arith.constant 0 : i32
    return %arg0, %c0_i32 : i32, i32
  }
}

</mosaic_0001>

<sc_bundles>
// kernel: kernel.11.cloned.1.call-start
scs
__scs_entry_jumppad:
0x0: {  	(pc) =	sbr.rel $0x88, $3  }
0x1: {  	(tag) =	ssettag $0x0;
	lr =	simm.s32 $0x1  }
0x2: {  	[smem:$0x3F97] =	sst lr;
	_ =	strace $0xD0000000  }
0x3: {  	_ = 	snop  }
0x4: {  	_ = 	snop  }
0x5: {  	_ = 	snop  }
0x6: {  	_ = 	snop  }
0x7: {  	_ = 	snop  }
__scs_overlays_trampoline_lowered:
0x8: {  	[smem:$0x3FA6] =	sst s0  }
0x9: {  	[smem:$0x3FA7] =	sst s1  }
0xa: {  	[smem:$0x3FA8] =	sst s2  }
0xb: {  	[smem:$0x3FA9] =	sst s3  }
0xc: {  	[smem:$0x3FAA] =	sst s4  }
0xd: {  	[smem:$0x3FAB] =	sst s5  }
0xe: {  	[smem:$0x3FAC] =	sst s6  }
0xf: {  	[smem:$0x3FAD] =	sst s7  }
0x10: {  	[smem:$0x3FAE] =	sst s8  }
0x11: {  	[smem:$0x3FAF] =	sst s9;
	s0 =	simm.s32 @!p0 $0x0  }
0x12: {  	s1 =	sld [smem:$0x3F95];
	s0 =	simm.s32 @p0 $0x1  }
0x13: {  	[smem:$0x3FB0] =	sst s0;
	s0 =	simm.s32 @!p1 $0x0  }
0x14: {  	s2 =	sld [smem:$0x3F94];
	s0 =	simm.s32 @p1 $0x1  }
0x15: {  	[smem:$0x3FB1] =	sst s0;
	s0 =	simm.s32 @!p2 $0x0  }
0x16: {  	s3 =	sld [smem:$0x3FDB];
	s0 =	simm.s32 @p2 $0x1  }
0x17: {  	s4 =	simm.s32 $0x1BF5;
	[smem:$0x3FB3] =	sst s0  }
0x18: {  	s0 =	sld [smem:$0x3F96];
	_ =	swait.ge [sflag:s4], $0x0  }
0x19: {  	s7 =	sld [smem:$0x3F97]  }
0x1a: {  	s8 =	sadd.s32 $0xFFFFE003, lr  }
0x1b: {  	s9 =	sadd.s32 $0xFFFFFEF7, lr;
	s5 =	simm.s32 $0xFFFFFFFF;
	p2 =	slt.u32 s8, $0xFFFFF086  }
0x1c: {  	p1 =	slt.u32 s9, $0xF7A;
	s5 =	simm.s32 @!p2 $0x0  }
0x1d: {  	s5 =	simm.s32 @p1 $0x1;
	p0 =	seq.s32 s7, s2  }
0x1e: {  	s7 =	smul.u32 @!p0 $0xF7A, s2;
	p2 =	seq.s32 @!p0 s5, $0x0  }
0x1f: {  	s9 =	smul.u32 $0xF7A, s1;
	s8 =	simm.s32 @!p0 $0x1BF5;
	p2 =	por !p2, p0  }
0x20: {  	[sflag:s8] =	ssyncset.s32 @!p0 $0xFFFFF086;
	s6 =	sadd.s32 @!p0 s3, s7;
	s7 =	simm.s32 @!p0 $0x108  }
0x21: {  	s3 =	sadd.s32 s3, s9;
	s6 =	sadd.s32 @!p0 $0x88, s6;
	s7 =	simm.s32 @p2 $0x1082  }
0x22: {  	[simem:s7], [sflag:s8] =	dma.local @!p0 [hbm:s6], $0xF7A  }
0x23: {  	s9 =	sor.u32 $0xD0000000, s2;
	s6 =	simm.s32 $0x108;
	_ =	swait.ge @!p0 [sflag:s8], $0x0  }
0x24: {  	s3 =	sadd.s32 $0x88, s3;
	s6 =	simm.s32 @!p1 $0x1082;
	[sflag:s4] =	ssyncset.s32 $0xFFFFF086  }
0x25: {  	[simem:s6], [sflag:s4] =	dma.local [hbm:s3], $0xF7A  }
0x26: {  	[smem:$0x3F97] =	sst s1;
	(tag) =	ssettag s2;
	_ =	strace s9  }
0x27: {  	s1 =	sld [smem:$0x3FA7]  }
0x28: {  	s2 =	sld [smem:$0x3FA8]  }
0x29: {  	s4 =	sld [smem:$0x3FAA]  }
0x2a: {  	p0 =	seq.s32 s5, $0x0;
	s5 =	sld [smem:$0x3FAB]  }
0x2b: {  	s6 =	sld [smem:$0x3FAC]  }
0x2c: {  	s7 =	sld [smem:$0x3FAD]  }
0x2d: {  	s3 =	simm.s32 $0x108;
	s8 =	sld [smem:$0x3FAE]  }
0x2e: {  	s3 =	simm.s32 @!p0 $0x1082;
	s9 =	sld [smem:$0x3FAF]  }
0x2f: {  	lr =	sadd.s32 s0, s3;
	s0 =	sld [smem:$0x3FA6]  }
0x30: {  	s3 =	sld [smem:$0x3FA9]  }
0x31: {  	[smem:$0x3FB2] =	sst s10  }
0x32: {  	s10 =	sld [smem:$0x3FB0];
	_ =	sdelay $0x3  }
0x33: {  	p0 =	seq.s32 s10, $0x1;
	s10 =	sld [smem:$0x3FB2];
	_ =	sdelay $0x3  }
0x34: {  	[smem:$0x3FB2] =	sst s10  }
0x35: {  	s10 =	sld [smem:$0x3FB1];
	_ =	sdelay $0x3  }
0x36: {  	p1 =	seq.s32 s10, $0x1;
	s10 =	sld [smem:$0x3FB2];
	_ =	sdelay $0x3  }
0x37: {  	[smem:$0x3FB2] =	sst s10  }
0x38: {  	s10 =	sld [smem:$0x3FB3]  }
0x39: {  	_ = 	snop;
	(pc) =	sbr.ind lr, $3  }
0x3a: {  	_ = 	snop  }
0x3b: {  	_ = 	snop  }
0x3c: {  	p2 =	seq.s32 s10, $0x1;
	s10 =	sld [smem:$0x3FB2]  }
0x3d: {  	_ =	shalt  }
0x3e: {  	_ =	shalt  }
0x3f: {  	_ =	shalt  }
0x40: {  	_ =	shalt  }
0x41: {  	_ =	shalt  }
0x42: {  	_ =	shalt  }
0x43: {  	_ =	shalt  }
0x44: {  	_ =	shalt  }
0x45: {  	_ =	shalt  }
0x46: {  	_ =	shalt  }
0x47: {  	_ =	shalt  }
0x48: {  	_ =	shalt  }
0x49: {  	_ =	shalt  }
0x4a: {  	_ =	shalt  }
0x4b: {  	_ =	shalt  }
0x4c: {  	_ =	shalt  }
0x4d: {  	_ =	shalt  }
0x4e: {  	_ =	shalt  }
0x4f: {  	_ =	shalt  }
0x50: {  	_ =	shalt  }
0x51: {  	_ =	shalt  }
0x52: {  	_ =	shalt  }
0x53: {  	_ =	shalt  }
0x54: {  	_ =	shalt  }
0x55: {  	_ =	shalt  }
0x56: {  	_ =	shalt  }
0x57: {  	_ =	shalt  }
0x58: {  	_ =	shalt  }
0x59: {  	_ =	shalt  }
0x5a: {  	_ =	shalt  }
0x5b: {  	_ =	shalt  }
0x5c: {  	_ =	shalt  }
0x5d: {  	_ =	shalt  }
0x5e: {  	_ =	shalt  }
0x5f: {  	_ =	shalt  }
0x60: {  	_ =	shalt  }
0x61: {  	_ =	shalt  }
0x62: {  	_ =	shalt  }
0x63: {  	_ =	shalt  }
0x64: {  	_ =	shalt  }
0x65: {  	_ =	shalt  }
0x66: {  	_ =	shalt  }
0x67: {  	_ =	shalt  }
0x68: {  	_ =	shalt  }
0x69: {  	_ =	shalt  }
0x6a: {  	_ =	shalt  }
0x6b: {  	_ =	shalt  }
0x6c: {  	_ =	shalt  }
0x6d: {  	_ =	shalt  }
0x6e: {  	_ =	shalt  }
0x6f: {  	_ =	shalt  }
0x70: {  	_ =	shalt  }
0x71: {  	_ =	shalt  }
0x72: {  	_ =	shalt  }
0x73: {  	_ =	shalt  }
0x74: {  	_ =	shalt  }
0x75: {  	_ =	shalt  }
0x76: {  	_ =	shalt  }
0x77: {  	_ =	shalt  }
0x78: {  	_ =	shalt  }
0x79: {  	_ =	shalt  }
0x7a: {  	_ =	shalt  }
0x7b: {  	_ =	shalt  }
0x7c: {  	_ =	shalt  }
0x7d: {  	_ =	shalt  }
0x7e: {  	_ =	shalt  }
0x7f: {  	_ =	shalt  }
0x80: {  	_ =	shalt  }
0x81: {  	_ =	shalt  }
0x82: {  	_ =	shalt  }
0x83: {  	_ =	shalt  }
0x84: {  	_ =	shalt  }
0x85: {  	_ =	shalt  }
0x86: {  	_ =	shalt  }
0x87: {  	_ =	shalt  }
.Lfunc_end0:
.L_simem_size_0:
called_computation.1_lowered:
.L_overlay_start_0:
0x88: {  	s2 =	sld [smem:$0x3FD9]  }
0x89: {  	s3 =	sld [smem:$0x3FFE];
	_ =	sdelay $0x1  }
0x8a: {  	s1 =	srdreg.scid  }
0x8b: {  	s0 =	sand.u32 $0x1, s1  }
0x8c: {  	s17 =	sshll.u32 s0, $0xA;
	s2 =	sadd.s32 s3, s2  }
0x8d: {  	s2 =	sadd.s32 s2, s17  }
0x8e: {  	[smem:$0x3FBE] =	sst s2  }
0x8f: {  	_ = 	snop  }
0x90: {  	s2 =	sld [smem:$0x3FD0];
	(tm) =	ssettm $0x1  }
0x91: {  	s18 =	sld [smem:$0x3FFB];
	_ =	sdelay $0x3  }
0x92: {  	_ =	strace s18  }
0x93: {  	s3 =	sld [smem:$0x3FFC];
	_ =	sdelay $0x3  }
0x94: {  	_ =	strace s3  }
0x95: {  	s3 =	sld [smem:$0x3FFD];
	_ =	sdelay $0x3  }
0x96: {  	_ =	strace s3  }
0x97: {  	_ =	strace $0x8FFFFFFF  }
0x98: {  	s19 =	sld [smem:$0x3FDB];
	_ =	sdelay $0x1  }
0x99: {  	s4 =	simm.s32 $_scs_section_size  }
0x9a: {  	s5 =	simm.s32 $_size__tile_overlayer_lowered;
	s6 =	simm.s32 $_tile_overlayer_lowered  }
0x9b: {  	s22 =	simm.s32 $0x1BFF;
	s21 =	sshll.u32 s6, $0x1;
	s3 =	sadd.s32 s4, s19  }
0x9c: {  	s7 =	simm.s32 $0x0;
	s20 =	sshll.u32 s5, $0x1;
	s5 =	sadd.s32 s21, s3  }
0x9d: {  	[timem:s7], [sflag:s22] =	dma.local [hbm:s5], s20  }
0x9e: {  	_ =	swait.ge [sflag:s22], s20  }
0x9f: {  	s4 =	ssub.s32 $0x0, s20;
	[sflag:s22] =	ssyncset.done $0x0  }
0xa0: {  	[sflag:s22] =	ssyncadd.s32 s4;
	_ =	sdelay $0x1  }
0xa1: {  	s23 =	simm.s32 $0x1B8B  }
0xa2: {  	_ =	swait.ge [sflag:s23], $0x1  }
0xa3: {  	[sflag:s23] =	ssyncset.done $0x0  }
0xa4: {  	s25 =	simm.s32 $0x1B8E;
	s24 =	sld [smem:$0x3FFE];
	[sflag:s23] =	ssyncadd.s32 $0xFFFFFFFF  }
0xa5: {  	s26 =	simm.s32 $execute0_lowered;
	[smem:$0x3FD2] =	sst s25  }
0xa6: {  	s5 =	sshll.u32 s26, $0x1;
	_ =	strace $0x80000049;
	[dreg:$0x1] =	wrdreg $0xFFFFFFFF  }
0xa7: {  	s28 =	simm.s32 $_size_execute0_lowered;
	s3 =	sadd.s32 s3, s5;
	[dreg:$0x0] =	wrdreg $0x0  }
0xa8: {  	s5 =	sshll.u32 s28, $0x1;
	[dreg:$0x2] =	wrdreg s3  }
0xa9: {  	[dreg:$0x3] =	wrdreg s5  }
0xaa: {  	[dreg:$0x4] =	wrdreg $0xC0  }
0xab: {  	_ =	task [dreg:s7], $0x5FFFF  }
0xac: {  	[dreg:$0x1] =	wrdreg $0xFFFFFFFF  }
0xad: {  	[dreg:$0x0] =	wrdreg $0x60  }
0xae: {  	[dreg:$0x2] =	wrdreg s24  }
0xaf: {  	[dreg:$0x3] =	wrdreg s2  }
0xb0: {  	[dreg:$0x4] =	wrdreg $0x6A400  }
0xb1: {  	[dreg:$0x5] =	wrdreg $0x9  }
0xb2: {  	_ =	task.clear_ibuf [dreg:s7], $0x6FFFF;
	_ =	strace $0x90000049  }
0xb3: {  	s29 =	simm.s32 $0x9;
	_ =	strace $0x8000004B  }
0xb4: {  	_ =	swait.ge [sflag:s29], $0x1  }
0xb5: {  	[sflag:s29] =	ssyncadd.s32 $0xFFFFFFFF  }
0xb6: {  	_ =	strace $0x9000004B  }
0xb7: {  	_ =	sfence  }
0xb8: {  	s30 =	sld [smem:$0x0];
	_ =	sdelay $0x2  }
0xb9: {  	s31 =	sshll.u32 s1, $0xD;
	s1 =	sshrl.u32 s1, $0x2  }
0xba: {  	s3 =	sand.u32 $0x4000, s31;
	s1 =	sadd.s32 s1, s30  }
0xbb: {  	s0 =	sor.u32 s3, s0;
	s1 =	sshll.u32 s1, $0x11  }
0xbc: {  	s0 =	sor.u32 s1, s0  }
0xbd: {  	s0 =	sadd.s32 $0x8F2B, s0  }
0xbe: {  	[sflag:s0] =	ssyncadd.remote.s32 $0x1  }
0xbf: {  	_ =	sfence.sel $0xFFFF  }
0xc0: {  	[dreg:$0x0] =	wrdreg $0xFFFFFFFF;
	(pc) =	sbr.abs _section_cstart, $3  }
0xc1: {  	[dreg:$0x1] =	wrdreg $0xFFFFFFFF  }
0xc2: {  	_ =	task.clear_ibuf [dreg:s7], $0x2FFFF;
	_ =	strace $0x9FFFFFFF  }
0xc3: {  	(tm) =	ssettm $0x7FFFFFFF  }
tec
execute0_lowered:
.L_overlay_start_1:
0x0: {  	(tag) =	ssettag $0x1  }
0x1: {  	s5 =	rddreg [dreg:$0x0]  }
0x2: {  	s8 =	rddreg [dreg:$0x1]  }
0x3: {  	s1 =	rddreg [dreg:$0x2]  }
0x4: {  	s2 =	srdreg.scid;
	s0 =	rddreg [dreg:$0x3];
	s3 =	simm.s32 $0x0  }
0x5: {  	s14 =	simm.s32 $0x64;
	s15 =	simm.s32 $0x5140;
	s16 =	simm.s32 $0x68  }
0x6: {  	s17 =	simm.s32 $0x5DC0;
	s18 =	simm.s32 $0x1;
	s19 =	simm.s32 $0x2  }
0x7: {  	s20 =	simm.s32 $0x5070;
	s21 =	simm.s32 $0x50D8;
	s22 =	simm.s32 $0x0  }
0x8: {  	s6 =	sand.u32 $0x1, s2;
	s2 =	stileid.u32;
	[smem:$0x7FF] =	sst s3  }
0x9: {  	s4 =	sshll.u32 s6, $0x4;
	s9 =	smul.u32 $0x9C40, s2;
	_ =	strace $0x8000004A  }
0xa: {  	s11 =	ssub.s32 $0x2, s6;
	s6 =	smul.u32 $0x9C400, s6;
	s31 =	sshll.u32 s2, $0x6  }
0xb: {  	s7 =	sor.u32 s2, s4;
	s4 =	sadd.s32 $0x16600, s5;
	s28 =	sshrl.u32 s11, $0x1  }
0xc: {  	s7 =	smul.u32 $0x514, s7;
	s10 =	sshrl.u32 s9, $0x4;
	s11 =	ssub.s32 s11, s28  }
0xd: {  	s12 =	sadd.s32 s9, s6;
	s29 =	sshrl.u32 s9, $0x1;
	s10 =	sadd.s32 s10, s5  }
0xe: {  	s30 =	sshrl.u32 s12, $0x4;
	s13 =	sadd.s32 s29, s1;
	s9 =	smax.u32 s11, $0x1  }
0xf: {  	s11 =	simm.s32 $0x28A0;
	s12 =	sor.u32 $0x1C03, s31;
	s7 =	sadd.s32 s7, s5  }
0x10: {  	s8 =	sadd.s32 s8, s30;
	s13 =	sshrl.u32 s13, $0x3;
	s5 =	sadd.s32 $0xC200, s7  }
0x11: {  	s6 =	sadd.s32 $0x1E00, s7;
	s7 =	sadd.s32 $0x6E600, s10;
	s10 =	simm.s32 $0x3  }
.LBB2_1:
0x12: {  	[tilespmem:s3], [sflag:$0x3] =	stream.linear.gather [hbm4b:s5+s3], $0x28A0, $0x38;
	[tilespmem:$0xB860] =	vst v63  }
0x13: {  	_ =	swait.ge [sflag:s10], $0x28A0  }
0x14: {  	[sflag:s10] =	ssyncset.done $0x0  }
0x15: {  	[sflag:s10] =	ssyncadd.s32 $0xFFFFD760  }
0x16: {  	[tilespmem:s11], [sflag:$0x3] =	stream.linear.gather [hbm4b:s6+s3], $0x28A0, $0x38;
	[tilespmem:$0xB860] =	vst v63  }
0x17: {  	_ =	swait.ge [sflag:s10], $0x28A0  }
0x18: {  	[sflag:s10] =	ssyncset.done $0x0  }
0x19: {  	[sflag:s10] =	ssyncadd.s32 $0xFFFFD760  }
0x1a: {  	[spmem:s13], [sflag:s12] =	dma.local [hbm:s7], $0x9C4  }
0x1b: {  	_ =	swait.ge [sflag:s10], $0x9C4  }
0x1c: {  	[sflag:s10] =	ssyncset.done $0x0  }
0x1d: {  	[sflag:s10] =	ssyncadd.s32 $0xFFFFF63C  }
0x1e: {  	[bflag:$0x0] =	sbarrier.arrive $0xFFFF  }
0x1f: {  	[tilespmem:s15], [sflag:$0x1] =	stream.indirect.gather [hbm4b:s4+s14], $0x20, s3, s14, $0xb8;
	[tilespmem:$0xB860] =	vst v63  }
0x20: {  	_ = 	snop  }
0x21: {  	[tilespmem:s17], [sflag:$0x2] =	stream.indirect.gather [hbm4b:s4+s14], $0x20, s16, s14, $0xb8;
	[tilespmem:$0xB860] =	vst v63  }
0x22: {  	_ =	swait.ge [sflag:s18], $0xC80  }
0x23: {  	[sflag:s18] =	ssyncset.done $0x0  }
0x24: {  	s23 =	simm.s32 $0x28A0;
	[sflag:s18] =	ssyncadd.s32 $0xFFFFF380  }
0x25: {  	[spmem:s1] =	stream.indirect.scatter.add.bf16 [tilespmem:s15], [sflag:$0x3], $0x20, s23, s14, $0xb8;
	[tilespmem:$0xB860] =	vst v63  }
0x26: {  	_ =	swait.ge [sflag:s10], $0xC80  }
0x27: {  	[sflag:s10] =	ssyncset.done $0x0  }
0x28: {  	s30 =	simm.s32 $0xD0;
	[sflag:s10] =	ssyncadd.s32 $0xFFFFF380  }
0x29: {  	[tilespmem:s15], [sflag:$0x1] =	stream.indirect.gather [hbm4b:s4+s14], $0x20, s30, s14, $0xb8;
	[tilespmem:$0xB860] =	vst v63  }
0x2a: {  	_ =	swait.ge [sflag:s19], $0xC80  }
0x2b: {  	[sflag:s19] =	ssyncset.done $0x0  }
0x2c: {  	s31 =	simm.s32 $0x2908;
	[sflag:s19] =	ssyncadd.s32 $0xFFFFF380  }
0x2d: {  	[spmem:s1] =	stream.indirect.scatter.add.bf16 [tilespmem:s17], [sflag:$0x3], $0x20, s31, s14, $0xb8;
	[tilespmem:$0xB860] =	vst v63  }
0x2e: {  	_ =	swait.ge [sflag:s10], $0xC80  }
0x2f: {  	[sflag:s10] =	ssyncset.done $0x0  }
0x30: {  	s24 =	simm.s32 $0x138;
	s23 =	simm.s32 $0x340;
	[sflag:s10] =	ssyncadd.s32 $0xFFFFF380  }
.LBB2_2:
0x31: {  	[tilespmem:s17], [sflag:$0x2] =	stream.indirect.gather [hbm4b:s4+s14], $0x20, s24, s14, $0xb8;
	[tilespmem:$0xB860] =	vst v63  }
0x32: {  	s24 =	smov.u32 s23  }
0x33: {  	p0 =	sne.s32 s23, $0x9C00;
	s23 =	sadd.s32 $0x340, s23;
	_ =	swait.ge [sflag:s18], $0xC80  }
0x34: {  	s24 =	sshra.s32 s24, $0x2;
	[sflag:s18] =	ssyncset.done $0x0  }
0x35: {  	s25 =	sadd.s32 $0x28A0, s24;
	[sflag:s18] =	ssyncadd.s32 $0xFFFFF380  }
0x36: {  	[spmem:s1] =	stream.indirect.scatter.add.bf16 [tilespmem:s15], [sflag:$0x3], $0x20, s25, s14, $0xb8;
	[tilespmem:$0xB860] =	vst v63  }
0x37: {  	_ =	swait.ge [sflag:s10], $0xC80  }
0x38: {  	[sflag:s10] =	ssyncset.done $0x0  }
0x39: {  	s25 =	sadd.s32 $0xD0, s24;
	[sflag:s10] =	ssyncadd.s32 $0xFFFFF380  }
0x3a: {  	[tilespmem:s15], [sflag:$0x1] =	stream.indirect.gather [hbm4b:s4+s14], $0x20, s25, s14, $0xb8;
	[tilespmem:$0xB860] =	vst v63  }
0x3b: {  	_ =	swait.ge [sflag:s19], $0xC80  }
0x3c: {  	[sflag:s19] =	ssyncset.done $0x0  }
.Ltmp0:
0x3d: {  	s25 =	sadd.s32 $0x2908, s24;
	[sflag:s19] =	ssyncadd.s32 $0xFFFFF380;
	(pc) =	sbr.rel @p0 .LBB2_2-.Ltmp0, $4  }
0x3e: {  	[spmem:s1] =	stream.indirect.scatter.add.bf16 [tilespmem:s17], [sflag:$0x3], $0x20, s25, s14, $0xb8;
	[tilespmem:$0xB860] =	vst v63  }
0x3f: {  	_ =	swait.ge [sflag:s10], $0xC80  }
0x40: {  	[sflag:s10] =	ssyncset.done $0x0  }
0x41: {  	s24 =	sadd.s32 $0x138, s24;
	[sflag:s10] =	ssyncadd.s32 $0xFFFFF380  }
0x42: {  	[tilespmem:s17], [sflag:$0x2] =	stream.indirect.gather [hbm4b:s4+s14], $0x20, s24, s14, $0xb8;
	[tilespmem:$0xB860] =	vst v63  }
0x43: {  	_ =	swait.ge [sflag:s18], $0xC80  }
0x44: {  	[sflag:s18] =	ssyncset.done $0x0  }
0x45: {  	[sflag:s18] =	ssyncadd.s32 $0xFFFFF380  }
0x46: {  	[spmem:s1] =	stream.indirect.scatter.add.bf16 [tilespmem:s15], [sflag:$0x3], $0x20, s20, s14, $0xb8;
	[tilespmem:$0xB860] =	vst v63  }
0x47: {  	_ =	swait.ge [sflag:s10], $0xC80  }
0x48: {  	[sflag:s10] =	ssyncset.done $0x0  }
0x49: {  	[sflag:s10] =	ssyncadd.s32 $0xFFFFF380  }
0x4a: {  	_ =	swait.ge [sflag:s19], $0xC80  }
0x4b: {  	[sflag:s19] =	ssyncset.done $0x0  }
0x4c: {  	[sflag:s19] =	ssyncadd.s32 $0xFFFFF380  }
0x4d: {  	[spmem:s1] =	stream.indirect.scatter.add.bf16 [tilespmem:s17], [sflag:$0x3], $0x20, s21, s14, $0xb8;
	[tilespmem:$0xB860] =	vst v63  }
0x4e: {  	_ =	swait.ge [sflag:s10], $0xC80  }
0x4f: {  	s22 =	sadd.s32 $0x1, s22;
	[sflag:s10] =	ssyncset.done $0x0  }
0x50: {  	p0 =	sne.s32 s22, s9;
	[sflag:s10] =	ssyncadd.s32 $0xFFFFF380  }
.Ltmp1:
0x51: {  	[bflag:$0x0] =	sbarrier.arrive $0xFFFF;
	(pc) =	sbr.rel @p0 .LBB2_1-.Ltmp1, $4  }
0x52: {  	[hbm:s8], [sflag:s12] =	dma.local [spmem:s13], $0x9C4  }
0x53: {  	_ =	swait.ge [sflag:s10], $0x9C4  }
0x54: {  	[sflag:s10] =	ssyncset.done $0x0  }
0x55: {  	[sflag:s10] =	ssyncadd.s32 $0xFFFFF63C  }
0x56: {  	_ =	sfence.sel $0x180000  }
0x57: {  	[bflag:$0x0] =	sbarrier.arrive $0xFFFF  }
0x58: {  	p0 =	sne.s32 s2, $0x0;
	_ =	strace $0x9000004A  }
0x59: {  	s0 =	sadd.s32 @!p0 $0x100000, s0;
	[bflag:$0x2] =	sbarrier.arrive $0xFFFF  }
0x5a: {  	[sflag:s0] =	ssyncadd.tile.s32 @!p0 $0x1;
	_ =	shalt  }
.Lfunc_end2:
_tile_overlayer_lowered:
.L_overlay_start_2:
0x5b: {  	(tag) =	ssettag $0x2  }
0x5c: {  	s0 =	rddreg [dreg:$0x0];
	s2 =	stileid.u32  }
0x5d: {  	s1 =	rddreg [dreg:$0x1];
	p0 =	sne.s32 s2, $0x0  }
0x5e: {  	s3 =	rddreg [dreg:$0x2];
	[bflag:$0x3] =	sbarrier.arrive $0xFFFF;
	s2 =	simm.s32 @!p0 $0x1C03  }
0x5f: {  	[timem:s3], [sflag:s2] =	dma.local @!p0 [hbm:s0], s1  }
0x60: {  	s0 =	simm.s32 @!p0 $0x3  }
0x61: {  	_ =	swait.ge @!p0 [sflag:s0], s1  }
0x62: {  	s1 =	ssub.s32 @!p0 $0x0, s1;
	[sflag:s0] =	ssyncset.done @!p0 $0x0  }
0x63: {  	[sflag:s0] =	ssyncadd.s32 @!p0 s1  }
0x64: {  	[bflag:$0x3] =	sbarrier.arrive $0xFFFF  }
0x65: {  	_ =	shalt  }

// kernel: kernel.8.cloned.1.call-start
scs
__scs_entry_jumppad:
0x0: {  	(pc) =	sbr.rel $0x88, $3  }
0x1: {  	(tag) =	ssettag $0x0;
	lr =	simm.s32 $0x1  }
0x2: {  	[smem:$0x3F97] =	sst lr;
	_ =	strace $0xD0000000  }
0x3: {  	_ = 	snop  }
0x4: {  	_ = 	snop  }
0x5: {  	_ = 	snop  }
0x6: {  	_ = 	snop  }
0x7: {  	_ = 	snop  }
__scs_overlays_trampoline_lowered:
0x8: {  	[smem:$0x3FA6] =	sst s0  }
0x9: {  	[smem:$0x3FA7] =	sst s1  }
0xa: {  	[smem:$0x3FA8] =	sst s2  }
0xb: {  	[smem:$0x3FA9] =	sst s3  }
0xc: {  	[smem:$0x3FAA] =	sst s4  }
0xd: {  	[smem:$0x3FAB] =	sst s5  }
0xe: {  	[smem:$0x3FAC] =	sst s6  }
0xf: {  	[smem:$0x3FAD] =	sst s7  }
0x10: {  	[smem:$0x3FAE] =	sst s8  }
0x11: {  	[smem:$0x3FAF] =	sst s9;
	s0 =	simm.s32 @!p0 $0x0  }
0x12: {  	s1 =	sld [smem:$0x3F95];
	s0 =	simm.s32 @p0 $0x1  }
0x13: {  	[smem:$0x3FB0] =	sst s0;
	s0 =	simm.s32 @!p1 $0x0  }
0x14: {  	s2 =	sld [smem:$0x3F94];
	s0 =	simm.s32 @p1 $0x1  }
0x15: {  	[smem:$0x3FB1] =	sst s0;
	s0 =	simm.s32 @!p2 $0x0  }
0x16: {  	s3 =	sld [smem:$0x3FDB];
	s0 =	simm.s32 @p2 $0x1  }
0x17: {  	s4 =	simm.s32 $0x1BF5;
	[smem:$0x3FB3] =	sst s0  }
0x18: {  	s0 =	sld [smem:$0x3F96];
	_ =	swait.ge [sflag:s4], $0x0  }
0x19: {  	s7 =	sld [smem:$0x3F97]  }
0x1a: {  	s8 =	sadd.s32 $0xFFFFE003, lr  }
0x1b: {  	s9 =	sadd.s32 $0xFFFFFEF7, lr;
	s5 =	simm.s32 $0xFFFFFFFF;
	p2 =	slt.u32 s8, $0xFFFFF086  }
0x1c: {  	p1 =	slt.u32 s9, $0xF7A;
	s5 =	simm.s32 @!p2 $0x0  }
0x1d: {  	s5 =	simm.s32 @p1 $0x1;
	p0 =	seq.s32 s7, s2  }
0x1e: {  	s7 =	smul.u32 @!p0 $0xF7A, s2;
	p2 =	seq.s32 @!p0 s5, $0x0  }
0x1f: {  	s9 =	smul.u32 $0xF7A, s1;
	s8 =	simm.s32 @!p0 $0x1BF5;
	p2 =	por !p2, p0  }
0x20: {  	[sflag:s8] =	ssyncset.s32 @!p0 $0xFFFFF086;
	s6 =	sadd.s32 @!p0 s3, s7;
	s7 =	simm.s32 @!p0 $0x108  }
0x21: {  	s3 =	sadd.s32 s3, s9;
	s6 =	sadd.s32 @!p0 $0x88, s6;
	s7 =	simm.s32 @p2 $0x1082  }
0x22: {  	[simem:s7], [sflag:s8] =	dma.local @!p0 [hbm:s6], $0xF7A  }
0x23: {  	s9 =	sor.u32 $0xD0000000, s2;
	s6 =	simm.s32 $0x108;
	_ =	swait.ge @!p0 [sflag:s8], $0x0  }
0x24: {  	s3 =	sadd.s32 $0x88, s3;
	s6 =	simm.s32 @!p1 $0x1082;
	[sflag:s4] =	ssyncset.s32 $0xFFFFF086  }
0x25: {  	[simem:s6], [sflag:s4] =	dma.local [hbm:s3], $0xF7A  }
0x26: {  	[smem:$0x3F97] =	sst s1;
	(tag) =	ssettag s2;
	_ =	strace s9  }
0x27: {  	s1 =	sld [smem:$0x3FA7]  }
0x28: {  	s2 =	sld [smem:$0x3FA8]  }
0x29: {  	s4 =	sld [smem:$0x3FAA]  }
0x2a: {  	p0 =	seq.s32 s5, $0x0;
	s5 =	sld [smem:$0x3FAB]  }
0x2b: {  	s6 =	sld [smem:$0x3FAC]  }
0x2c: {  	s7 =	sld [smem:$0x3FAD]  }
0x2d: {  	s3 =	simm.s32 $0x108;
	s8 =	sld [smem:$0x3FAE]  }
0x2e: {  	s3 =	simm.s32 @!p0 $0x1082;
	s9 =	sld [smem:$0x3FAF]  }
0x2f: {  	lr =	sadd.s32 s0, s3;
	s0 =	sld [smem:$0x3FA6]  }
0x30: {  	s3 =	sld [smem:$0x3FA9]  }
0x31: {  	[smem:$0x3FB2] =	sst s10  }
0x32: {  	s10 =	sld [smem:$0x3FB0];
	_ =	sdelay $0x3  }
0x33: {  	p0 =	seq.s32 s10, $0x1;
	s10 =	sld [smem:$0x3FB2];
	_ =	sdelay $0x3  }
0x34: {  	[smem:$0x3FB2] =	sst s10  }
0x35: {  	s10 =	sld [smem:$0x3FB1];
	_ =	sdelay $0x3  }
0x36: {  	p1 =	seq.s32 s10, $0x1;
	s10 =	sld [smem:$0x3FB2];
	_ =	sdelay $0x3  }
0x37: {  	[smem:$0x3FB2] =	sst s10  }
0x38: {  	s10 =	sld [smem:$0x3FB3]  }
0x39: {  	_ = 	snop;
	(pc) =	sbr.ind lr, $3  }
0x3a: {  	_ = 	snop  }
0x3b: {  	_ = 	snop  }
0x3c: {  	p2 =	seq.s32 s10, $0x1;
	s10 =	sld [smem:$0x3FB2]  }
0x3d: {  	_ =	shalt  }
0x3e: {  	_ =	shalt  }
0x3f: {  	_ =	shalt  }
0x40: {  	_ =	shalt  }
0x41: {  	_ =	shalt  }
0x42: {  	_ =	shalt  }
0x43: {  	_ =	shalt  }
0x44: {  	_ =	shalt  }
0x45: {  	_ =	shalt  }
0x46: {  	_ =	shalt  }
0x47: {  	_ =	shalt  }
0x48: {  	_ =	shalt  }
0x49: {  	_ =	shalt  }
0x4a: {  	_ =	shalt  }
0x4b: {  	_ =	shalt  }
0x4c: {  	_ =	shalt  }
0x4d: {  	_ =	shalt  }
0x4e: {  	_ =	shalt  }
0x4f: {  	_ =	shalt  }
0x50: {  	_ =	shalt  }
0x51: {  	_ =	shalt  }
0x52: {  	_ =	shalt  }
0x53: {  	_ =	shalt  }
0x54: {  	_ =	shalt  }
0x55: {  	_ =	shalt  }
0x56: {  	_ =	shalt  }
0x57: {  	_ =	shalt  }
0x58: {  	_ =	shalt  }
0x59: {  	_ =	shalt  }
0x5a: {  	_ =	shalt  }
0x5b: {  	_ =	shalt  }
0x5c: {  	_ =	shalt  }
0x5d: {  	_ =	shalt  }
0x5e: {  	_ =	shalt  }
0x5f: {  	_ =	shalt  }
0x60: {  	_ =	shalt  }
0x61: {  	_ =	shalt  }
0x62: {  	_ =	shalt  }
0x63: {  	_ =	shalt  }
0x64: {  	_ =	shalt  }
0x65: {  	_ =	shalt  }
0x66: {  	_ =	shalt  }
0x67: {  	_ =	shalt  }
0x68: {  	_ =	shalt  }
0x69: {  	_ =	shalt  }
0x6a: {  	_ =	shalt  }
0x6b: {  	_ =	shalt  }
0x6c: {  	_ =	shalt  }
0x6d: {  	_ =	shalt  }
0x6e: {  	_ =	shalt  }
0x6f: {  	_ =	shalt  }
0x70: {  	_ =	shalt  }
0x71: {  	_ =	shalt  }
0x72: {  	_ =	shalt  }
0x73: {  	_ =	shalt  }
0x74: {  	_ =	shalt  }
0x75: {  	_ =	shalt  }
0x76: {  	_ =	shalt  }
0x77: {  	_ =	shalt  }
0x78: {  	_ =	shalt  }
0x79: {  	_ =	shalt  }
0x7a: {  	_ =	shalt  }
0x7b: {  	_ =	shalt  }
0x7c: {  	_ =	shalt  }
0x7d: {  	_ =	shalt  }
0x7e: {  	_ =	shalt  }
0x7f: {  	_ =	shalt  }
0x80: {  	_ =	shalt  }
0x81: {  	_ =	shalt  }
0x82: {  	_ =	shalt  }
0x83: {  	_ =	shalt  }
0x84: {  	_ =	shalt  }
0x85: {  	_ =	shalt  }
0x86: {  	_ =	shalt  }
0x87: {  	_ =	shalt  }
.Lfunc_end0:
.L_simem_size_0:
called_computation_lowered:
.L_overlay_start_0:
0x88: {  	s2 =	sld [smem:$0x3FD9]  }
0x89: {  	s3 =	sld [smem:$0x3FFE];
	_ =	sdelay $0x1  }
0x8a: {  	s1 =	srdreg.scid  }
0x8b: {  	s0 =	sand.u32 $0x1, s1  }
0x8c: {  	s16 =	sshll.u32 s0, $0xA;
	s2 =	sadd.s32 s3, s2  }
0x8d: {  	s2 =	sadd.s32 s2, s16  }
0x8e: {  	[smem:$0x3FBE] =	sst s2  }
0x8f: {  	_ = 	snop  }
0x90: {  	(tm) =	ssettm $0x1  }
0x91: {  	s17 =	sld [smem:$0x3FFB];
	_ =	sdelay $0x3  }
0x92: {  	_ =	strace s17  }
0x93: {  	s2 =	sld [smem:$0x3FFC];
	_ =	sdelay $0x3  }
0x94: {  	_ =	strace s2  }
0x95: {  	s2 =	sld [smem:$0x3FFD];
	_ =	sdelay $0x3  }
0x96: {  	_ =	strace s2  }
0x97: {  	_ =	strace $0x8FFFFFFF  }
0x98: {  	s18 =	sld [smem:$0x3FDB];
	_ =	sdelay $0x1  }
0x99: {  	s19 =	simm.s32 $_scs_section_size  }
0x9a: {  	s4 =	simm.s32 $_size__tile_overlayer_lowered;
	s5 =	simm.s32 $_tile_overlayer_lowered  }
0x9b: {  	s22 =	simm.s32 $0x1BFF;
	s21 =	sshll.u32 s5, $0x1;
	s2 =	sadd.s32 s19, s18  }
0x9c: {  	s6 =	simm.s32 $0x0;
	s20 =	sshll.u32 s4, $0x1;
	s4 =	sadd.s32 s21, s2  }
0x9d: {  	[timem:s6], [sflag:s22] =	dma.local [hbm:s4], s20  }
0x9e: {  	_ =	swait.ge [sflag:s22], s20  }
0x9f: {  	s3 =	ssub.s32 $0x0, s20;
	[sflag:s22] =	ssyncset.done $0x0  }
0xa0: {  	[sflag:s22] =	ssyncadd.s32 s3;
	_ =	sdelay $0x1  }
0xa1: {  	s23 =	simm.s32 $0x1B8B  }
0xa2: {  	_ =	swait.ge [sflag:s23], $0x1  }
0xa3: {  	[sflag:s23] =	ssyncset.done $0x0  }
0xa4: {  	s25 =	simm.s32 $0x1B8E;
	s24 =	sld [smem:$0x3FFE];
	[sflag:s23] =	ssyncadd.s32 $0xFFFFFFFF  }
0xa5: {  	s26 =	simm.s32 $execute0_lowered;
	[smem:$0x3FD2] =	sst s25  }
0xa6: {  	s4 =	sshll.u32 s26, $0x1;
	_ =	strace $0x80000046;
	[dreg:$0x1] =	wrdreg $0xFFFFFFFF  }
0xa7: {  	s28 =	simm.s32 $_size_execute0_lowered;
	s2 =	sadd.s32 s2, s4;
	[dreg:$0x0] =	wrdreg $0x0  }
0xa8: {  	s4 =	sshll.u32 s28, $0x1;
	[dreg:$0x2] =	wrdreg s2  }
0xa9: {  	[dreg:$0x3] =	wrdreg s4  }
0xaa: {  	[dreg:$0x4] =	wrdreg $0xC0  }
0xab: {  	_ =	task [dreg:s6], $0x5FFFF  }
0xac: {  	[dreg:$0x1] =	wrdreg $0xFFFFFFFF  }
0xad: {  	[dreg:$0x0] =	wrdreg $0x60  }
0xae: {  	[dreg:$0x2] =	wrdreg s24  }
0xaf: {  	[dreg:$0x3] =	wrdreg $0x89800  }
0xb0: {  	[dreg:$0x4] =	wrdreg $0x9  }
0xb1: {  	_ =	task.clear_ibuf [dreg:s6], $0x5FFFF;
	_ =	strace $0x90000046  }
0xb2: {  	s29 =	simm.s32 $0x9;
	_ =	strace $0x80000048  }
0xb3: {  	_ =	swait.ge [sflag:s29], $0x1  }
0xb4: {  	[sflag:s29] =	ssyncadd.s32 $0xFFFFFFFF  }
0xb5: {  	_ =	strace $0x90000048  }
0xb6: {  	_ =	sfence  }
0xb7: {  	s30 =	sld [smem:$0x0];
	_ =	sdelay $0x2  }
0xb8: {  	s31 =	sshll.u32 s1, $0xD;
	s1 =	sshrl.u32 s1, $0x2  }
0xb9: {  	s3 =	sand.u32 $0x4000, s31;
	s1 =	sadd.s32 s1, s30  }
0xba: {  	s0 =	sor.u32 s3, s0;
	s1 =	sshll.u32 s1, $0x11  }
0xbb: {  	s0 =	sor.u32 s1, s0  }
0xbc: {  	s0 =	sadd.s32 $0x8F2B, s0  }
0xbd: {  	[sflag:s0] =	ssyncadd.remote.s32 $0x1  }
0xbe: {  	_ =	sfence.sel $0xFFFF  }
0xbf: {  	[dreg:$0x0] =	wrdreg $0xFFFFFFFF;
	(pc) =	sbr.abs _section_cstart, $3  }
0xc0: {  	[dreg:$0x1] =	wrdreg $0xFFFFFFFF  }
0xc1: {  	_ =	task.clear_ibuf [dreg:s6], $0x2FFFF;
	_ =	strace $0x9FFFFFFF  }
0xc2: {  	(tm) =	ssettm $0x7FFFFFFF  }
0xc3: {  	_ =	shalt  }
tec
execute0_lowered:
.L_overlay_start_1:
0x0: {  	(tag) =	ssettag $0x1  }
0x1: {  	s6 =	rddreg [dreg:$0x0]  }
0x2: {  	s0 =	srdreg.scid;
	s2 =	rddreg [dreg:$0x1]  }
0x3: {  	s3 =	simm.s32 $0x0;
	s14 =	simm.s32 $0x64;
	s15 =	simm.s32 $0x5140  }
0x4: {  	s16 =	simm.s32 $0x68;
	s17 =	simm.s32 $0x6D60;
	s18 =	simm.s32 $0x1  }
0x5: {  	s19 =	simm.s32 $0x2;
	s20 =	simm.s32 $0x5070;
	s21 =	simm.s32 $0x50D8  }
0x6: {  	s22 =	simm.s32 $0x0;
	s5 =	sand.u32 $0x1, s0;
	s0 =	stileid.u32  }
0x7: {  	[smem:$0x7FF] =	sst s3;
	s4 =	sadd.s32 $0x16600, s6;
	s8 =	smul.u32 $0x15F90, s0  }
0x8: {  	s1 =	sshll.u32 s5, $0x4;
	s9 =	smul.u32 $0x15F900, s5;
	s5 =	ssub.s32 $0x2, s5  }
0x9: {  	s12 =	sshll.u32 s0, $0x6;
	s1 =	sor.u32 s0, s1;
	s11 =	sshrl.u32 s5, $0x1  }
0xa: {  	s12 =	sor.u32 $0x1C03, s12;
	s7 =	smul.u32 $0x514, s1;
	s1 =	rddreg [dreg:$0x2]  }
0xb: {  	_ =	strace $0x80000047;
	s9 =	sadd.s32 s8, s9;
	s10 =	sshrl.u32 s8, $0x4  }
0xc: {  	s11 =	ssub.s32 s5, s11;
	s31 =	sshrl.u32 s8, $0x1;
	s9 =	sshrl.u32 s9, $0x4  }
0xd: {  	s10 =	sadd.s32 s10, s6;
	s13 =	sadd.s32 s31, s2;
	s7 =	sadd.s32 s7, s6  }
0xe: {  	s9 =	sadd.s32 s9, s6;
	s13 =	sshrl.u32 s13, $0x3;
	s5 =	sadd.s32 $0xC200, s7  }
0xf: {  	s6 =	sadd.s32 $0x1E00, s7;
	s7 =	sadd.s32 $0x2C600, s10;
	s8 =	sadd.s32 $0x42600, s9  }
0x10: {  	s9 =	smax.u32 s11, $0x1;
	s10 =	simm.s32 $0x3;
	s11 =	simm.s32 $0x28A0  }
.LBB2_1:
0x11: {  	[tilespmem:s3], [sflag:$0x3] =	stream.linear.gather [hbm4b:s5+s3], $0x28A0, $0x38;
	[tilespmem:$0x13948] =	vst v63  }
0x12: {  	_ =	swait.ge [sflag:s10], $0x28A0  }
0x13: {  	[sflag:s10] =	ssyncset.done $0x0  }
0x14: {  	[sflag:s10] =	ssyncadd.s32 $0xFFFFD760  }
0x15: {  	[tilespmem:s11], [sflag:$0x3] =	stream.linear.gather [hbm4b:s6+s3], $0x28A0, $0x38;
	[tilespmem:$0x13948] =	vst v63  }
0x16: {  	_ =	swait.ge [sflag:s10], $0x28A0  }
0x17: {  	[sflag:s10] =	ssyncset.done $0x0  }
0x18: {  	[sflag:s10] =	ssyncadd.s32 $0xFFFFD760  }
0x19: {  	[spmem:s13], [sflag:s12] =	dma.local [hbm:s7], $0x15F9  }
0x1a: {  	_ =	swait.ge [sflag:s10], $0x15F9  }
0x1b: {  	[sflag:s10] =	ssyncset.done $0x0  }
0x1c: {  	[sflag:s10] =	ssyncadd.s32 $0xFFFFEA07  }
0x1d: {  	[bflag:$0x0] =	sbarrier.arrive $0xFFFF  }
0x1e: {  	[tilespmem:s15], [sflag:$0x1] =	stream.indirect.gather [hbm4b:s4+s14], $0x48, s3, s14, $0xb8;
	[tilespmem:$0x13948] =	vst v63  }
0x1f: {  	_ = 	snop  }
0x20: {  	[tilespmem:s17], [sflag:$0x2] =	stream.indirect.gather [hbm4b:s4+s14], $0x48, s16, s14, $0xb8;
	[tilespmem:$0x13948] =	vst v63  }
0x21: {  	_ =	swait.ge [sflag:s18], $0x1C20  }
0x22: {  	[sflag:s18] =	ssyncset.done $0x0  }
0x23: {  	s23 =	simm.s32 $0x28A0;
	[sflag:s18] =	ssyncadd.s32 $0xFFFFE3E0  }
0x24: {  	[spmem:s2] =	stream.indirect.scatter.add.bf16 [tilespmem:s15], [sflag:$0x3], $0x48, s23, s14, $0xb8;
	[tilespmem:$0x13948] =	vst v63  }
0x25: {  	_ =	swait.ge [sflag:s10], $0x1C20  }
0x26: {  	[sflag:s10] =	ssyncset.done $0x0  }
0x27: {  	s30 =	simm.s32 $0xD0;
	[sflag:s10] =	ssyncadd.s32 $0xFFFFE3E0  }
0x28: {  	[tilespmem:s15], [sflag:$0x1] =	stream.indirect.gather [hbm4b:s4+s14], $0x48, s30, s14, $0xb8;
	[tilespmem:$0x13948] =	vst v63  }
0x29: {  	_ =	swait.ge [sflag:s19], $0x1C20  }
0x2a: {  	[sflag:s19] =	ssyncset.done $0x0  }
0x2b: {  	s31 =	simm.s32 $0x2908;
	[sflag:s19] =	ssyncadd.s32 $0xFFFFE3E0  }
0x2c: {  	[spmem:s2] =	stream.indirect.scatter.add.bf16 [tilespmem:s17], [sflag:$0x3], $0x48, s31, s14, $0xb8;
	[tilespmem:$0x13948] =	vst v63  }
0x2d: {  	_ =	swait.ge [sflag:s10], $0x1C20  }
0x2e: {  	[sflag:s10] =	ssyncset.done $0x0  }
0x2f: {  	s24 =	simm.s32 $0x138;
	s23 =	simm.s32 $0x340;
	[sflag:s10] =	ssyncadd.s32 $0xFFFFE3E0  }
.LBB2_2:
0x30: {  	[tilespmem:s17], [sflag:$0x2] =	stream.indirect.gather [hbm4b:s4+s14], $0x48, s24, s14, $0xb8;
	[tilespmem:$0x13948] =	vst v63  }
0x31: {  	s24 =	smov.u32 s23  }
0x32: {  	p0 =	sne.s32 s23, $0x9C00;
	s23 =	sadd.s32 $0x340, s23;
	_ =	swait.ge [sflag:s18], $0x1C20  }
0x33: {  	s24 =	sshra.s32 s24, $0x2;
	[sflag:s18] =	ssyncset.done $0x0  }
0x34: {  	s25 =	sadd.s32 $0x28A0, s24;
	[sflag:s18] =	ssyncadd.s32 $0xFFFFE3E0  }
0x35: {  	[spmem:s2] =	stream.indirect.scatter.add.bf16 [tilespmem:s15], [sflag:$0x3], $0x48, s25, s14, $0xb8;
	[tilespmem:$0x13948] =	vst v63  }
0x36: {  	_ =	swait.ge [sflag:s10], $0x1C20  }
0x37: {  	[sflag:s10] =	ssyncset.done $0x0  }
0x38: {  	s25 =	sadd.s32 $0xD0, s24;
	[sflag:s10] =	ssyncadd.s32 $0xFFFFE3E0  }
0x39: {  	[tilespmem:s15], [sflag:$0x1] =	stream.indirect.gather [hbm4b:s4+s14], $0x48, s25, s14, $0xb8;
	[tilespmem:$0x13948] =	vst v63  }
0x3a: {  	_ =	swait.ge [sflag:s19], $0x1C20  }
0x3b: {  	[sflag:s19] =	ssyncset.done $0x0  }
.Ltmp0:
0x3c: {  	s25 =	sadd.s32 $0x2908, s24;
	[sflag:s19] =	ssyncadd.s32 $0xFFFFE3E0;
	(pc) =	sbr.rel @p0 .LBB2_2-.Ltmp0, $4  }
0x3d: {  	[spmem:s2] =	stream.indirect.scatter.add.bf16 [tilespmem:s17], [sflag:$0x3], $0x48, s25, s14, $0xb8;
	[tilespmem:$0x13948] =	vst v63  }
0x3e: {  	_ =	swait.ge [sflag:s10], $0x1C20  }
0x3f: {  	[sflag:s10] =	ssyncset.done $0x0  }
0x40: {  	s24 =	sadd.s32 $0x138, s24;
	[sflag:s10] =	ssyncadd.s32 $0xFFFFE3E0  }
0x41: {  	[tilespmem:s17], [sflag:$0x2] =	stream.indirect.gather [hbm4b:s4+s14], $0x48, s24, s14, $0xb8;
	[tilespmem:$0x13948] =	vst v63  }
0x42: {  	_ =	swait.ge [sflag:s18], $0x1C20  }
0x43: {  	[sflag:s18] =	ssyncset.done $0x0  }
0x44: {  	[sflag:s18] =	ssyncadd.s32 $0xFFFFE3E0  }
0x45: {  	[spmem:s2] =	stream.indirect.scatter.add.bf16 [tilespmem:s15], [sflag:$0x3], $0x48, s20, s14, $0xb8;
	[tilespmem:$0x13948] =	vst v63  }
0x46: {  	_ =	swait.ge [sflag:s10], $0x1C20  }
0x47: {  	[sflag:s10] =	ssyncset.done $0x0  }
0x48: {  	[sflag:s10] =	ssyncadd.s32 $0xFFFFE3E0  }
0x49: {  	_ =	swait.ge [sflag:s19], $0x1C20  }
0x4a: {  	[sflag:s19] =	ssyncset.done $0x0  }
0x4b: {  	[sflag:s19] =	ssyncadd.s32 $0xFFFFE3E0  }
0x4c: {  	[spmem:s2] =	stream.indirect.scatter.add.bf16 [tilespmem:s17], [sflag:$0x3], $0x48, s21, s14, $0xb8;
	[tilespmem:$0x13948] =	vst v63  }
0x4d: {  	_ =	swait.ge [sflag:s10], $0x1C20  }
0x4e: {  	s22 =	sadd.s32 $0x1, s22;
	[sflag:s10] =	ssyncset.done $0x0  }
0x4f: {  	p0 =	sne.s32 s22, s9;
	[sflag:s10] =	ssyncadd.s32 $0xFFFFE3E0  }
.Ltmp1:
0x50: {  	[bflag:$0x0] =	sbarrier.arrive $0xFFFF;
	(pc) =	sbr.rel @p0 .LBB2_1-.Ltmp1, $4  }
0x51: {  	[hbm:s8], [sflag:s12] =	dma.local [spmem:s13], $0x15F9  }
0x52: {  	_ =	swait.ge [sflag:s10], $0x15F9  }
0x53: {  	[sflag:s10] =	ssyncset.done $0x0  }
0x54: {  	[sflag:s10] =	ssyncadd.s32 $0xFFFFEA07  }
0x55: {  	_ =	sfence.sel $0x180000  }
0x56: {  	[bflag:$0x0] =	sbarrier.arrive $0xFFFF  }
0x57: {  	p0 =	sne.s32 s0, $0x0;
	_ =	strace $0x90000047  }
0x58: {  	s0 =	sadd.s32 @!p0 $0x100000, s1;
	[bflag:$0x2] =	sbarrier.arrive $0xFFFF  }
0x59: {  	[sflag:s0] =	ssyncadd.tile.s32 @!p0 $0x1;
	_ =	shalt  }
.Lfunc_end2:
_tile_overlayer_lowered:
.L_overlay_start_2:
0x5a: {  	(tag) =	ssettag $0x2  }
0x5b: {  	s0 =	rddreg [dreg:$0x0];
	s2 =	stileid.u32  }
0x5c: {  	s1 =	rddreg [dreg:$0x1];
	p0 =	sne.s32 s2, $0x0  }
0x5d: {  	s3 =	rddreg [dreg:$0x2];
	[bflag:$0x3] =	sbarrier.arrive $0xFFFF;
	s2 =	simm.s32 @!p0 $0x1C03  }
0x5e: {  	[timem:s3], [sflag:s2] =	dma.local @!p0 [hbm:s0], s1  }
0x5f: {  	s0 =	simm.s32 @!p0 $0x3  }
0x60: {  	_ =	swait.ge @!p0 [sflag:s0], s1  }
0x61: {  	s1 =	ssub.s32 @!p0 $0x0, s1;
	[sflag:s0] =	ssyncset.done @!p0 $0x0  }
0x62: {  	[sflag:s0] =	ssyncadd.s32 @!p0 s1  }
0x63: {  	[bflag:$0x3] =	sbarrier.arrive $0xFFFF  }
0x64: {  	_ =	shalt  }

</sc_bundles>
